<compile_context>
chip_gen: v7x
topology: tpu7x:2x2x1
jax: 0.10.2.dev20260603
libtpu: 0.0.44.dev20260713+nightly
codegen_flags: <defaults>
</compile_context>

<pallas_src>
import functools

import jax
import jax.numpy as jnp
from jax import lax
from jax.experimental import pallas as pl
from jax.experimental.pallas import tpu as pltpu
from jax.experimental.pallas import tpu_sc as plsc

NC = 2
NS = 16
NW = NC * NS
L = 16

_mesh = functools.partial(
    plsc.VectorSubcoreMesh,
    core_axis_name="c",
    subcore_axis_name="s",
    num_cores=NC,
    num_subcores=NS,
)

_params = pltpu.CompilerParams(needs_layout_passes=False)


def _worker_id():
    return lax.axis_index("s") * NC + lax.axis_index("c")


def _d2_body(n_per_w, chunk, pd_hbm, out_hbm, buf, accbuf, sem):
    wid = _worker_id()
    base = wid * n_per_w
    n_chunks = n_per_w // chunk

    def issue(i, b):
        pltpu.async_copy(
            pd_hbm.at[pl.ds(base + i * chunk, chunk)],
            buf.at[pl.ds(b * chunk, chunk)], sem)

    issue(0, 0)

    def chunk_body(i, acc):
        b = jnp.bitwise_and(i, 1)
        pltpu.make_async_copy(
            pd_hbm.at[pl.ds(base + i * chunk, chunk)],
            buf.at[pl.ds(b * chunk, chunk)], sem).wait()

        @pl.when(i + 1 < n_chunks)
        def _():
            issue(i + 1, 1 - b)

        boff = b * chunk

        @plsc.parallel_loop(0, chunk, L, unroll=5, carry=acc)
        def vec_body(off, a):
            v = buf[pl.ds(boff + off, L)]
            return a + v * v

        return vec_body

    acc = lax.fori_loop(0, n_chunks, chunk_body, jnp.zeros((L,), jnp.float32))
    accbuf[...] = acc
    pltpu.sync_copy(accbuf, out_hbm.at[pl.ds(wid * L, L)])


def _lj_body(n_per_w, chunk, pd_hbm, fi_hbm, sig_hbm, eps_hbm, part_hbm,
             en_hbm, fo_hbm,
             sig_v, eps_v, part_v, red_v, pd_v, fi_v, en_v, fo_v,
             sem_in, sem_out):
    wid = _worker_id()
    base = wid * n_per_w
    n_chunks = n_per_w // chunk

    pltpu.sync_copy(sig_hbm, sig_v)
    pltpu.sync_copy(eps_hbm, eps_v)
    pltpu.sync_copy(part_hbm, part_v)

    def pr_body(i, a):
        return a + part_v[pl.ds(i * L, L)]

    accv = lax.fori_loop(0, NW, pr_body, jnp.zeros((L,), jnp.float32))

    iota = jnp.arange(L, dtype=jnp.int32)
    for step in (8, 4, 2, 1):
        red_v[...] = accv
        accv = accv + plsc.load_gather(red_v, [jnp.bitwise_xor(iota, step)])
    d2 = accv
    invd2 = 1.0 / d2
    invd6 = invd2 * invd2 * invd2
    c24 = 24.0 * invd2

    def issue_in(i, b):
        cb = base + i * chunk
        bo = b * chunk
        pltpu.async_copy(pd_hbm.at[pl.ds(cb, chunk)],
                         pd_v.at[pl.ds(bo, chunk)], sem_in)
        pltpu.async_copy(fi_hbm.at[pl.ds(cb, chunk)],
                         fi_v.at[pl.ds(bo, chunk)], sem_in)

    def wait_in(i, b):
        cb = base + i * chunk
        bo = b * chunk
        pltpu.make_async_copy(pd_hbm.at[pl.ds(cb, chunk)],
                              pd_v.at[pl.ds(bo, chunk)], sem_in).wait()
        pltpu.make_async_copy(fi_hbm.at[pl.ds(cb, chunk)],
                              fi_v.at[pl.ds(bo, chunk)], sem_in).wait()

    def wait_out(b):
        bo = b * chunk
        pltpu.make_async_copy(en_v.at[pl.ds(bo, chunk)],
                              en_hbm.at[pl.ds(base, chunk)], sem_out).wait()
        pltpu.make_async_copy(fo_v.at[pl.ds(bo, chunk)],
                              fo_hbm.at[pl.ds(base, chunk)], sem_out).wait()

    def lj_one(s, e, pd):
        r = s / pd
        r2 = r * r
        r4 = r2 * r2
        r6 = r4 * r2
        r12 = r6 * r6
        en = (r12 - r6) * (e * 4.0)
        s2 = s * s
        s4 = s2 * s2
        s6 = s4 * s2
        q6 = s6 * invd6
        q12 = q6 * q6
        fo = (q12 + q12 - q6) * (e * pd) * c24
        return en, fo

    issue_in(0, 0)
    issue_in(1, 1)

    def chunk_body(i, _):
        b = lax.rem(i, 3)
        cb = base + i * chunk
        bo = b * chunk
        wait_in(i, b)

        @pl.when(i + 2 < n_chunks)
        def _():
            issue_in(i + 2, lax.rem(i + 2, 3))

        @pl.when(i >= 3)
        def _():
            wait_out(b)

        @plsc.parallel_loop(0, chunk, L, unroll=5)
        def vec_body(off):
            fi = fi_v[pl.ds(bo + off, L)]
            s = plsc.load_gather(sig_v, [fi])
            e = plsc.load_gather(eps_v, [fi])
            pd = pd_v[pl.ds(bo + off, L)]
            en, fo = lj_one(s, e, pd)
            en_v[pl.ds(bo + off, L)] = en
            fo_v[pl.ds(bo + off, L)] = fo

        pltpu.async_copy(en_v.at[pl.ds(bo, chunk)],
                         en_hbm.at[pl.ds(cb, chunk)], sem_out)
        pltpu.async_copy(fo_v.at[pl.ds(bo, chunk)],
                         fo_hbm.at[pl.ds(cb, chunk)], sem_out)
        return 0

    lax.fori_loop(0, n_chunks, chunk_body, 0)
    wait_out(jnp.int32(0))
    wait_out(jnp.int32(1))
    wait_out(jnp.int32(2))


def kernel(pair_diff, atom_types, sig, eps):
    n = pair_diff.shape[0]
    n_types = sig.shape[0]
    assert n % (NW * 2 * L) == 0
    n_per_w = n // NW

    chunk1 = 50000
    assert n_per_w % chunk1 == 0 and chunk1 % L == 0

    d2_k = pl.kernel(
        functools.partial(_d2_body, n_per_w, chunk1),
        out_type=jax.ShapeDtypeStruct((NW * L,), jnp.float32),
        mesh=_mesh(),
        compiler_params=_params,
        scratch_types=[
            pltpu.VMEM((2 * chunk1,), jnp.float32),
            pltpu.VMEM((L,), jnp.float32),
            pltpu.SemaphoreType.DMA,
        ],
    )
    partials = d2_k(pair_diff)

    flat_idx = atom_types[:, 0] * n_types + atom_types[:, 1]

    chunk2 = 8000
    assert n_per_w % chunk2 == 0 and chunk2 % L == 0

    lj_k = pl.kernel(
        functools.partial(_lj_body, n_per_w, chunk2),
        out_type=(
            jax.ShapeDtypeStruct((n,), jnp.float32),
            jax.ShapeDtypeStruct((n,), jnp.float32),
        ),
        mesh=_mesh(),
        compiler_params=_params,
        scratch_types=[
            pltpu.VMEM((n_types * n_types,), jnp.float32),
            pltpu.VMEM((n_types * n_types,), jnp.float32),
            pltpu.VMEM((NW * L,), jnp.float32),
            pltpu.VMEM((L,), jnp.float32),
            pltpu.VMEM((3 * chunk2,), jnp.float32),
            pltpu.VMEM((3 * chunk2,), jnp.int32),
            pltpu.VMEM((3 * chunk2,), jnp.float32),
            pltpu.VMEM((3 * chunk2,), jnp.float32),
            pltpu.SemaphoreType.DMA,
            pltpu.SemaphoreType.DMA,
        ],
    )
    energy, forces = lj_k(
        pair_diff, flat_idx, sig.reshape(-1), eps.reshape(-1), partials)
    return (energy, forces)

# --- scband reference (transcript-rebuilt; emitter-appended) ---
"""Pipeline reference for scband-lj126-44581760532875 (READ-ONLY COPY).

The authoritative reference and input builder live on the scoring server;
editing this copy changes nothing except your own understanding.
"""

import jax, jax.numpy as jnp
import numpy as np

N_PAIRS = 6400000
N_TYPES = 100


def setup_inputs(seed: int = 0) -> dict:
    key = jax.random.key(seed)
    k1, k2, k3, k4 = jax.random.split(key, 4)
    # offset uniform away from zero to avoid inf in (sig/pair_diff)**12
    pair_diff = jax.random.uniform(k1, (N_PAIRS,), dtype=jnp.float32, minval=0.5, maxval=1.5)
    atom_types = jax.random.randint(k2, (N_PAIRS, 2), 0, N_TYPES, dtype=jnp.int32)
    # lazily-materialized parameters: uniform_(0.1, 1.0)
    sig = jax.random.uniform(k3, (N_TYPES, N_TYPES), dtype=jnp.float32, minval=0.1, maxval=1.0)
    eps = jax.random.uniform(k4, (N_TYPES, N_TYPES), dtype=jnp.float32, minval=0.1, maxval=1.0)
    return {"pair_diff": pair_diff, "atom_types": atom_types, "sig": sig, "eps": eps}


def reference(pair_diff, atom_types, sig, eps):
    # gather per-pair parameters from [n_types, n_types] tables
    s = sig[atom_types[:, 0], atom_types[:, 1]]
    e = eps[atom_types[:, 0], atom_types[:, 1]]
    # energy branch (uses pair_diff directly, as in the original module)
    power_6 = jnp.power(s / pair_diff, 6)
    power_12 = jnp.square(power_6)
    energy = 4.0 * e * (power_12 - power_6)
    # forces branch (uses norm over last dim, keepdim=True -> shape (1,) for 1-D pair_diff)
    d_ij = jnp.linalg.norm(pair_diff, axis=-1, keepdims=True)
    p6 = jnp.power(s / d_ij, 6)
    p12 = jnp.square(p6)
    forces = 24.0 * e * (2.0 * p12 - p6) * pair_diff / jnp.square(d_ij)
    return (energy, forces)

if __name__ == "__main__":
    import jax
    _d = setup_inputs()
    print(jax.jit(kernel)(*tuple(_d.values())))

</pallas_src>

<mosaic_0001>
#map = affine_map<(d0, d1) -> (0)>
module attributes {stable_mosaic.version = 14 : i64} {
  func.func @_d2_body(%arg0: i32, %arg1: i32, %arg2: memref<6400000xf32, #tpu.memory_space<hbm>>, %arg3: memref<512xf32, #tpu.memory_space<hbm>>, %arg4: memref<100000xf32, #tpu.memory_space<vmem>>, %arg5: memref<16xf32, #tpu.memory_space<vmem>>, %arg6: memref<!tpu.dma_semaphore, #tpu.memory_space<semaphore_mem>>) attributes {dimension_semantics = [#tpu.dimension_semantics<core_parallel>, #tpu.dimension_semantics<subcore_parallel>], iteration_bounds = array<i64: 2, 16>, scalar_prefetch = 0 : i64, scratch_operands = 3 : i64, tpu.core_type = #tpu.core_type<sc_vector_subcore>, window_params = [{transform_indices = #map}, {transform_indices = #map}]} {
    %mul3A = arith.constant 2 : i32
    %mul3A_0 = arith.muli %arg1, %mul3A : i32
    %add3A = arith.addi %mul3A_0, %arg0 : i32
    %mul3A_1 = arith.constant 200000 : i32
    %mul3A_2 = arith.muli %add3A, %mul3A_1 : i32
    %add3A_3 = arith.constant 0 : i32
    %add3A_4 = arith.addi %mul3A_2, %add3A_3 : i32
    %dma_start3A = arith.constant 0 : i32
    %dma_start3A_5 = tpu.memref_slice %arg4[%dma_start3A] : memref<100000xf32, #tpu.memory_space<vmem>> -> memref<50000xf32, #tpu.memory_space<vmem>>
    %dma_start3A_6 = tpu.memref_slice %arg2[%add3A_4] : memref<6400000xf32, #tpu.memory_space<hbm>> -> memref<50000xf32, #tpu.memory_space<hbm>>
    %dma_start3A_7 = arith.constant 0 : i32
    %dma_start3A_8 = tpu.memref_slice %arg4[%dma_start3A_7] : memref<100000xf32, #tpu.memory_space<vmem>> -> memref<50000xf32, #tpu.memory_space<vmem>>
    %dma_start3A_9 = tpu.memref_slice %arg2[%add3A_4] : memref<6400000xf32, #tpu.memory_space<hbm>> -> memref<50000xf32, #tpu.memory_space<hbm>>
    tpu.enqueue_dma source(%dma_start3A_9 : memref<50000xf32, #tpu.memory_space<hbm>>) target(%dma_start3A_8 : memref<50000xf32, #tpu.memory_space<vmem>>) target_semaphore(%arg6 : memref<!tpu.dma_semaphore, #tpu.memory_space<semaphore_mem>>)
    %broadcast_in_dim3A = arith.constant 0.000000e+00 : f32
    %broadcast_in_dim3A_10 = vector.broadcast %broadcast_in_dim3A : f32 to vector<16xf32>
    %scan3A = arith.constant 0 : i32
    %scan3A_11 = arith.constant 4 : i32
    %scan3A_12 = arith.addi %scan3A, %scan3A_11 : i32
    %scan3A_13 = arith.constant 1 : i32
    %scan3A_14 = scf.for %scan3A_19 = %scan3A to %scan3A_12 step %scan3A_13 iter_args(%scan3A_20 = %broadcast_in_dim3A_10) -> (vector<16xf32>)  : i32 {
      %and3A = arith.constant 1 : i32
      %and3A_21 = arith.andi %scan3A_19, %and3A : i32
      %mul3A_22 = arith.constant 50000 : i32
      %mul3A_23 = arith.muli %scan3A_19, %mul3A_22 : i32
      %add3A_24 = arith.addi %mul3A_2, %mul3A_23 : i32
      %mul3A_25 = arith.constant 50000 : i32
      %mul3A_26 = arith.muli %and3A_21, %mul3A_25 : i32
      %dma_wait3A = tpu.memref_slice %arg4[%mul3A_26] : memref<100000xf32, #tpu.memory_space<vmem>> -> memref<50000xf32, #tpu.memory_space<vmem>>
      %dma_wait3A_27 = tpu.memref_slice %arg2[%add3A_24] : memref<6400000xf32, #tpu.memory_space<hbm>> -> memref<50000xf32, #tpu.memory_space<hbm>>
      %dma_wait3A_28 = tpu.memref_slice %arg4[%mul3A_26] : memref<100000xf32, #tpu.memory_space<vmem>> -> memref<50000xf32, #tpu.memory_space<vmem>>
      %dma_wait3A_29 = tpu.memref_slice %arg2[%add3A_24] : memref<6400000xf32, #tpu.memory_space<hbm>> -> memref<50000xf32, #tpu.memory_space<hbm>>
      tpu.wait_dma2 semaphore(%arg6 : memref<!tpu.dma_semaphore, #tpu.memory_space<semaphore_mem>>) src(%dma_wait3A_29 : memref<50000xf32, #tpu.memory_space<hbm>>) dst(%dma_wait3A_28 : memref<50000xf32, #tpu.memory_space<vmem>>)
      %add3A_30 = arith.constant 1 : i32
      %add3A_31 = arith.addi %scan3A_19, %add3A_30 : i32
      %lt3A = arith.constant 4 : i32
      %lt3A_32 = arith.cmpi slt, %add3A_31, %lt3A : i32
      %convert_element_type3A = arith.extui %lt3A_32 : i1 to i32
      %cond3A = arith.constant 0 : i32
      %cond3A_33 = arith.cmpi ne, %convert_element_type3A, %cond3A : i32
      scf.if %cond3A_33 {
        %add3A_39 = arith.constant 1 : i32
        %add3A_40 = arith.addi %scan3A_19, %add3A_39 : i32
        %sub3A = arith.constant 1 : i32
        %sub3A_41 = arith.subi %sub3A, %and3A_21 : i32
        %mul3A_42 = arith.constant 50000 : i32
        %mul3A_43 = arith.muli %add3A_40, %mul3A_42 : i32
        %add3A_44 = arith.addi %mul3A_2, %mul3A_43 : i32
        %mul3A_45 = arith.constant 50000 : i32
        %mul3A_46 = arith.muli %sub3A_41, %mul3A_45 : i32
        %dma_start3A_47 = tpu.memref_slice %arg4[%mul3A_46] : memref<100000xf32, #tpu.memory_space<vmem>> -> memref<50000xf32, #tpu.memory_space<vmem>>
        %dma_start3A_48 = tpu.memref_slice %arg2[%add3A_44] : memref<6400000xf32, #tpu.memory_space<hbm>> -> memref<50000xf32, #tpu.memory_space<hbm>>
        %dma_start3A_49 = tpu.memref_slice %arg4[%mul3A_46] : memref<100000xf32, #tpu.memory_space<vmem>> -> memref<50000xf32, #tpu.memory_space<vmem>>
        %dma_start3A_50 = tpu.memref_slice %arg2[%add3A_44] : memref<6400000xf32, #tpu.memory_space<hbm>> -> memref<50000xf32, #tpu.memory_space<hbm>>
        tpu.enqueue_dma source(%dma_start3A_50 : memref<50000xf32, #tpu.memory_space<hbm>>) target(%dma_start3A_49 : memref<50000xf32, #tpu.memory_space<vmem>>) target_semaphore(%arg6 : memref<!tpu.dma_semaphore, #tpu.memory_space<semaphore_mem>>)
      } else {
      }
      %mul3A_34 = arith.constant 50000 : i32
      %mul3A_35 = arith.muli %and3A_21, %mul3A_34 : i32
      %parallel_loop3A = arith.constant 0 : i32
      %parallel_loop3A_36 = arith.constant 50000 : i32
      %parallel_loop3A_37 = arith.constant 16 : i32
      %parallel_loop3A_38 = scf.for %parallel_loop3A_39 = %parallel_loop3A to %parallel_loop3A_36 step %parallel_loop3A_37 iter_args(%parallel_loop3A_40 = %scan3A_20) -> (vector<16xf32>)  : i32 {
        %parallel_loop3A_41 = arith.addi %mul3A_35, %parallel_loop3A_39 : i32
        %parallel_loop3A_42 = arith.index_cast %parallel_loop3A_41 : i32 to index
        %parallel_loop3A_43 = tpu.vector_load %arg4[%parallel_loop3A_42] {strides = array<i32>} : memref<100000xf32, #tpu.memory_space<vmem>>, vector<16xf32>,
        %parallel_loop3A_44 = arith.mulf %parallel_loop3A_43, %parallel_loop3A_43 : vector<16xf32>
        %parallel_loop3A_45 = arith.addf %parallel_loop3A_40, %parallel_loop3A_44 : vector<16xf32>
        scf.yield %parallel_loop3A_45 : vector<16xf32>
      } {sc.loop_unroll_factor = 5 : i64, sc.parallel_access}
      scf.yield %parallel_loop3A_38 : vector<16xf32>
    }
    %scan3A_15 = arith.constant 4 : i32
    %swap3A = arith.constant 0 : index
    %swap3A_16 = tpu.vector_load %arg5[%swap3A] {strides = array<i32>} : memref<16xf32, #tpu.memory_space<vmem>>, vector<16xf32>,
    tpu.vector_store %arg5[%swap3A], %scan3A_14 {strides = array<i32>} : memref<16xf32, #tpu.memory_space<vmem>>, vector<16xf32>,
    %mul3A_17 = arith.constant 16 : i32
    %mul3A_18 = arith.muli %add3A, %mul3A_17 : i32
    "tpu.region"() ({
      %run_scoped3A = tpu.sem_alloc : memref<!tpu.dma_semaphore, #tpu.memory_space<semaphore_mem>>
      %dma_start3A_19 = tpu.memref_slice %arg3[%mul3A_18] : memref<512xf32, #tpu.memory_space<hbm>> -> memref<16xf32, #tpu.memory_space<hbm>>
      %dma_start3A_20 = tpu.memref_slice %arg3[%mul3A_18] : memref<512xf32, #tpu.memory_space<hbm>> -> memref<16xf32, #tpu.memory_space<hbm>>
      tpu.enqueue_dma source(%arg5 : memref<16xf32, #tpu.memory_space<vmem>>) target(%dma_start3A_20 : memref<16xf32, #tpu.memory_space<hbm>>) target_semaphore(%run_scoped3A : memref<!tpu.dma_semaphore, #tpu.memory_space<semaphore_mem>>)
      %dma_wait3A = tpu.memref_slice %arg3[%mul3A_18] : memref<512xf32, #tpu.memory_space<hbm>> -> memref<16xf32, #tpu.memory_space<hbm>>
      %dma_wait3A_21 = tpu.memref_slice %arg3[%mul3A_18] : memref<512xf32, #tpu.memory_space<hbm>> -> memref<16xf32, #tpu.memory_space<hbm>>
      tpu.wait_dma2 semaphore(%run_scoped3A : memref<!tpu.dma_semaphore, #tpu.memory_space<semaphore_mem>>) src(%arg5 : memref<16xf32, #tpu.memory_space<vmem>>) dst(%dma_wait3A_21 : memref<16xf32, #tpu.memory_space<hbm>>)
      tpu.yield
    }) : () -> ()
    return
  }
}

#map = affine_map<(d0, d1) -> (0)>
module attributes {stable_mosaic.version = 14 : i64} {
  func.func @_lj_body(%arg0: i32, %arg1: i32, %arg2: memref<6400000xf32, #tpu.memory_space<hbm>>, %arg3: memref<6400000xi32, #tpu.memory_space<hbm>>, %arg4: memref<10000xf32, #tpu.memory_space<hbm>>, %arg5: memref<10000xf32, #tpu.memory_space<hbm>>, %arg6: memref<512xf32, #tpu.memory_space<hbm>>, %arg7: memref<6400000xf32, #tpu.memory_space<hbm>>, %arg8: memref<6400000xf32, #tpu.memory_space<hbm>>, %arg9: memref<10000xf32, #tpu.memory_space<vmem>>, %arg10: memref<10000xf32, #tpu.memory_space<vmem>>, %arg11: memref<512xf32, #tpu.memory_space<vmem>>, %arg12: memref<16xf32, #tpu.memory_space<vmem>>, %arg13: memref<24000xf32, #tpu.memory_space<vmem>>, %arg14: memref<24000xi32, #tpu.memory_space<vmem>>, %arg15: memref<24000xf32, #tpu.memory_space<vmem>>, %arg16: memref<24000xf32, #tpu.memory_space<vmem>>, %arg17: memref<!tpu.dma_semaphore, #tpu.memory_space<semaphore_mem>>, %arg18: memref<!tpu.dma_semaphore, #tpu.memory_space<semaphore_mem>>) attributes {dimension_semantics = [#tpu.dimension_semantics<core_parallel>, #tpu.dimension_semantics<subcore_parallel>], iteration_bounds = array<i64: 2, 16>, scalar_prefetch = 0 : i64, scratch_operands = 10 : i64, tpu.core_type = #tpu.core_type<sc_vector_subcore>, window_params = [{transform_indices = #map}, {transform_indices = #map}, {transform_indices = #map}, {transform_indices = #map}, {transform_indices = #map}, {transform_indices = #map}, {transform_indices = #map}]} {
    %mul3A = arith.constant 2 : i32
    %mul3A_0 = arith.muli %arg1, %mul3A : i32
    %add3A = arith.addi %mul3A_0, %arg0 : i32
    %mul3A_1 = arith.constant 200000 : i32
    %mul3A_2 = arith.muli %add3A, %mul3A_1 : i32
    "tpu.region"() ({
      %run_scoped3A = tpu.sem_alloc : memref<!tpu.dma_semaphore, #tpu.memory_space<semaphore_mem>>
      tpu.enqueue_dma source(%arg4 : memref<10000xf32, #tpu.memory_space<hbm>>) target(%arg9 : memref<10000xf32, #tpu.memory_space<vmem>>) target_semaphore(%run_scoped3A : memref<!tpu.dma_semaphore, #tpu.memory_space<semaphore_mem>>)
      tpu.wait_dma2 semaphore(%run_scoped3A : memref<!tpu.dma_semaphore, #tpu.memory_space<semaphore_mem>>) src(%arg4 : memref<10000xf32, #tpu.memory_space<hbm>>) dst(%arg9 : memref<10000xf32, #tpu.memory_space<vmem>>)
      tpu.yield
    }) : () -> ()
    "tpu.region"() ({
      %run_scoped3A = tpu.sem_alloc : memref<!tpu.dma_semaphore, #tpu.memory_space<semaphore_mem>>
      tpu.enqueue_dma source(%arg5 : memref<10000xf32, #tpu.memory_space<hbm>>) target(%arg10 : memref<10000xf32, #tpu.memory_space<vmem>>) target_semaphore(%run_scoped3A : memref<!tpu.dma_semaphore, #tpu.memory_space<semaphore_mem>>)
      tpu.wait_dma2 semaphore(%run_scoped3A : memref<!tpu.dma_semaphore, #tpu.memory_space<semaphore_mem>>) src(%arg5 : memref<10000xf32, #tpu.memory_space<hbm>>) dst(%arg10 : memref<10000xf32, #tpu.memory_space<vmem>>)
      tpu.yield
    }) : () -> ()
    "tpu.region"() ({
      %run_scoped3A = tpu.sem_alloc : memref<!tpu.dma_semaphore, #tpu.memory_space<semaphore_mem>>
      tpu.enqueue_dma source(%arg6 : memref<512xf32, #tpu.memory_space<hbm>>) target(%arg11 : memref<512xf32, #tpu.memory_space<vmem>>) target_semaphore(%run_scoped3A : memref<!tpu.dma_semaphore, #tpu.memory_space<semaphore_mem>>)
      tpu.wait_dma2 semaphore(%run_scoped3A : memref<!tpu.dma_semaphore, #tpu.memory_space<semaphore_mem>>) src(%arg6 : memref<512xf32, #tpu.memory_space<hbm>>) dst(%arg11 : memref<512xf32, #tpu.memory_space<vmem>>)
      tpu.yield
    }) : () -> ()
    %broadcast_in_dim3A = arith.constant 0.000000e+00 : f32
    %broadcast_in_dim3A_3 = vector.broadcast %broadcast_in_dim3A : f32 to vector<16xf32>
    %scan3A = arith.constant 0 : i32
    %scan3A_4 = arith.constant 32 : i32
    %scan3A_5 = arith.addi %scan3A, %scan3A_4 : i32
    %scan3A_6 = arith.constant 1 : i32
    %scan3A_7 = scf.for %scan3A_107 = %scan3A to %scan3A_5 step %scan3A_6 iter_args(%scan3A_108 = %broadcast_in_dim3A_3) -> (vector<16xf32>)  : i32 {
      %mul3A_109 = arith.constant 16 : i32
      %mul3A_110 = arith.muli %scan3A_107, %mul3A_109 : i32
      %get3A = arith.index_cast %mul3A_110 : i32 to index
      %get3A_111 = tpu.vector_load %arg11[%get3A] {strides = array<i32>} : memref<512xf32, #tpu.memory_space<vmem>>, vector<16xf32>,
      %add3A_112 = arith.addf %scan3A_108, %get3A_111 : vector<16xf32>
      scf.yield %add3A_112 : vector<16xf32>
    }
    %scan3A_8 = arith.constant 32 : i32
    %iota3A = tpu.iota {dimensions = array<i32: 0>} : vector<16xi32>
    %swap3A = arith.constant 0 : index
    %swap3A_9 = tpu.vector_load %arg12[%swap3A] {strides = array<i32>} : memref<16xf32, #tpu.memory_space<vmem>>, vector<16xf32>,
    tpu.vector_store %arg12[%swap3A], %scan3A_7 {strides = array<i32>} : memref<16xf32, #tpu.memory_space<vmem>>, vector<16xf32>,
    %xor3A = arith.constant 8 : i32
    %xor3A_10 = vector.broadcast %xor3A : i32 to vector<16xi32>
    %xor3A_11 = arith.xori %iota3A, %xor3A_10 : vector<16xi32>
    %gather3A = tpu.vector_load_idx %arg12[%xor3A_11] : memref<16xf32, #tpu.memory_space<vmem>>[vector<16xi32>], vector<16xf32>,
    %add3A_12 = arith.addf %scan3A_7, %gather3A : vector<16xf32>
    %swap3A_13 = arith.constant 0 : index
    %swap3A_14 = tpu.vector_load %arg12[%swap3A_13] {strides = array<i32>} : memref<16xf32, #tpu.memory_space<vmem>>, vector<16xf32>,
    tpu.vector_store %arg12[%swap3A_13], %add3A_12 {strides = array<i32>} : memref<16xf32, #tpu.memory_space<vmem>>, vector<16xf32>,
    %xor3A_15 = arith.constant 4 : i32
    %xor3A_16 = vector.broadcast %xor3A_15 : i32 to vector<16xi32>
    %xor3A_17 = arith.xori %iota3A, %xor3A_16 : vector<16xi32>
    %gather3A_18 = tpu.vector_load_idx %arg12[%xor3A_17] : memref<16xf32, #tpu.memory_space<vmem>>[vector<16xi32>], vector<16xf32>,
    %add3A_19 = arith.addf %add3A_12, %gather3A_18 : vector<16xf32>
    %swap3A_20 = arith.constant 0 : index
    %swap3A_21 = tpu.vector_load %arg12[%swap3A_20] {strides = array<i32>} : memref<16xf32, #tpu.memory_space<vmem>>, vector<16xf32>,
    tpu.vector_store %arg12[%swap3A_20], %add3A_19 {strides = array<i32>} : memref<16xf32, #tpu.memory_space<vmem>>, vector<16xf32>,
    %xor3A_22 = arith.constant 2 : i32
    %xor3A_23 = vector.broadcast %xor3A_22 : i32 to vector<16xi32>
    %xor3A_24 = arith.xori %iota3A, %xor3A_23 : vector<16xi32>
    %gather3A_25 = tpu.vector_load_idx %arg12[%xor3A_24] : memref<16xf32, #tpu.memory_space<vmem>>[vector<16xi32>], vector<16xf32>,
    %add3A_26 = arith.addf %add3A_19, %gather3A_25 : vector<16xf32>
    %swap3A_27 = arith.constant 0 : index
    %swap3A_28 = tpu.vector_load %arg12[%swap3A_27] {strides = array<i32>} : memref<16xf32, #tpu.memory_space<vmem>>, vector<16xf32>,
    tpu.vector_store %arg12[%swap3A_27], %add3A_26 {strides = array<i32>} : memref<16xf32, #tpu.memory_space<vmem>>, vector<16xf32>,
    %xor3A_29 = arith.constant 1 : i32
    %xor3A_30 = vector.broadcast %xor3A_29 : i32 to vector<16xi32>
    %xor3A_31 = arith.xori %iota3A, %xor3A_30 : vector<16xi32>
    %gather3A_32 = tpu.vector_load_idx %arg12[%xor3A_31] : memref<16xf32, #tpu.memory_space<vmem>>[vector<16xi32>], vector<16xf32>,
    %add3A_33 = arith.addf %add3A_26, %gather3A_32 : vector<16xf32>
    %div3A = arith.constant 1.000000e+00 : f32
    %div3A_34 = vector.broadcast %div3A : f32 to vector<16xf32>
    %div3A_35 = arith.divf %div3A_34, %add3A_33 : vector<16xf32>
    %mul3A_36 = arith.mulf %div3A_35, %div3A_35 : vector<16xf32>
    %mul3A_37 = arith.mulf %mul3A_36, %div3A_35 : vector<16xf32>
    %mul3A_38 = arith.constant 2.400000e+01 : f32
    %mul3A_39 = vector.broadcast %mul3A_38 : f32 to vector<16xf32>
    %mul3A_40 = arith.mulf %mul3A_39, %div3A_35 : vector<16xf32>
    %add3A_41 = arith.constant 0 : i32
    %add3A_42 = arith.addi %mul3A_2, %add3A_41 : i32
    %dma_start3A = arith.constant 0 : i32
    %dma_start3A_43 = tpu.memref_slice %arg13[%dma_start3A] : memref<24000xf32, #tpu.memory_space<vmem>> -> memref<8000xf32, #tpu.memory_space<vmem>>
    %dma_start3A_44 = tpu.memref_slice %arg2[%add3A_42] : memref<6400000xf32, #tpu.memory_space<hbm>> -> memref<8000xf32, #tpu.memory_space<hbm>>
    %dma_start3A_45 = arith.constant 0 : i32
    %dma_start3A_46 = tpu.memref_slice %arg13[%dma_start3A_45] : memref<24000xf32, #tpu.memory_space<vmem>> -> memref<8000xf32, #tpu.memory_space<vmem>>
    %dma_start3A_47 = tpu.memref_slice %arg2[%add3A_42] : memref<6400000xf32, #tpu.memory_space<hbm>> -> memref<8000xf32, #tpu.memory_space<hbm>>
    tpu.enqueue_dma source(%dma_start3A_47 : memref<8000xf32, #tpu.memory_space<hbm>>) target(%dma_start3A_46 : memref<8000xf32, #tpu.memory_space<vmem>>) target_semaphore(%arg17 : memref<!tpu.dma_semaphore, #tpu.memory_space<semaphore_mem>>)
    %dma_start3A_48 = arith.constant 0 : i32
    %dma_start3A_49 = tpu.memref_slice %arg14[%dma_start3A_48] : memref<24000xi32, #tpu.memory_space<vmem>> -> memref<8000xi32, #tpu.memory_space<vmem>>
    %dma_start3A_50 = tpu.memref_slice %arg3[%add3A_42] : memref<6400000xi32, #tpu.memory_space<hbm>> -> memref<8000xi32, #tpu.memory_space<hbm>>
    %dma_start3A_51 = arith.constant 0 : i32
    %dma_start3A_52 = tpu.memref_slice %arg14[%dma_start3A_51] : memref<24000xi32, #tpu.memory_space<vmem>> -> memref<8000xi32, #tpu.memory_space<vmem>>
    %dma_start3A_53 = tpu.memref_slice %arg3[%add3A_42] : memref<6400000xi32, #tpu.memory_space<hbm>> -> memref<8000xi32, #tpu.memory_space<hbm>>
    tpu.enqueue_dma source(%dma_start3A_53 : memref<8000xi32, #tpu.memory_space<hbm>>) target(%dma_start3A_52 : memref<8000xi32, #tpu.memory_space<vmem>>) target_semaphore(%arg17 : memref<!tpu.dma_semaphore, #tpu.memory_space<semaphore_mem>>)
    %add3A_54 = arith.constant 8000 : i32
    %add3A_55 = arith.addi %mul3A_2, %add3A_54 : i32
    %dma_start3A_56 = arith.constant 8000 : i32
    %dma_start3A_57 = tpu.memref_slice %arg13[%dma_start3A_56] : memref<24000xf32, #tpu.memory_space<vmem>> -> memref<8000xf32, #tpu.memory_space<vmem>>
    %dma_start3A_58 = tpu.memref_slice %arg2[%add3A_55] : memref<6400000xf32, #tpu.memory_space<hbm>> -> memref<8000xf32, #tpu.memory_space<hbm>>
    %dma_start3A_59 = arith.constant 8000 : i32
    %dma_start3A_60 = tpu.memref_slice %arg13[%dma_start3A_59] : memref<24000xf32, #tpu.memory_space<vmem>> -> memref<8000xf32, #tpu.memory_space<vmem>>
    %dma_start3A_61 = tpu.memref_slice %arg2[%add3A_55] : memref<6400000xf32, #tpu.memory_space<hbm>> -> memref<8000xf32, #tpu.memory_space<hbm>>
    tpu.enqueue_dma source(%dma_start3A_61 : memref<8000xf32, #tpu.memory_space<hbm>>) target(%dma_start3A_60 : memref<8000xf32, #tpu.memory_space<vmem>>) target_semaphore(%arg17 : memref<!tpu.dma_semaphore, #tpu.memory_space<semaphore_mem>>)
    %dma_start3A_62 = arith.constant 8000 : i32
    %dma_start3A_63 = tpu.memref_slice %arg14[%dma_start3A_62] : memref<24000xi32, #tpu.memory_space<vmem>> -> memref<8000xi32, #tpu.memory_space<vmem>>
    %dma_start3A_64 = tpu.memref_slice %arg3[%add3A_55] : memref<6400000xi32, #tpu.memory_space<hbm>> -> memref<8000xi32, #tpu.memory_space<hbm>>
    %dma_start3A_65 = arith.constant 8000 : i32
    %dma_start3A_66 = tpu.memref_slice %arg14[%dma_start3A_65] : memref<24000xi32, #tpu.memory_space<vmem>> -> memref<8000xi32, #tpu.memory_space<vmem>>
    %dma_start3A_67 = tpu.memref_slice %arg3[%add3A_55] : memref<6400000xi32, #tpu.memory_space<hbm>> -> memref<8000xi32, #tpu.memory_space<hbm>>
    tpu.enqueue_dma source(%dma_start3A_67 : memref<8000xi32, #tpu.memory_space<hbm>>) target(%dma_start3A_66 : memref<8000xi32, #tpu.memory_space<vmem>>) target_semaphore(%arg17 : memref<!tpu.dma_semaphore, #tpu.memory_space<semaphore_mem>>)
    %scan3A_68 = arith.constant 0 : i32
    %scan3A_69 = arith.constant 0 : i32
    %scan3A_70 = arith.constant 25 : i32
    %scan3A_71 = arith.addi %scan3A_69, %scan3A_70 : i32
    %scan3A_72 = arith.constant 1 : i32
    %scan3A_73 = scf.for %scan3A_107 = %scan3A_69 to %scan3A_71 step %scan3A_72 iter_args(%scan3A_108 = %scan3A_68) -> (i32)  : i32 {
      %rem3A = arith.constant 3 : i32
      %rem3A_109 = arith.remsi %scan3A_107, %rem3A : i32
      %mul3A_110 = arith.constant 8000 : i32
      %mul3A_111 = arith.muli %scan3A_107, %mul3A_110 : i32
      %add3A_112 = arith.addi %mul3A_2, %mul3A_111 : i32
      %mul3A_113 = arith.constant 8000 : i32
      %mul3A_114 = arith.muli %rem3A_109, %mul3A_113 : i32
      %mul3A_115 = arith.constant 8000 : i32
      %mul3A_116 = arith.muli %scan3A_107, %mul3A_115 : i32
      %add3A_117 = arith.addi %mul3A_2, %mul3A_116 : i32
      %mul3A_118 = arith.constant 8000 : i32
      %mul3A_119 = arith.muli %rem3A_109, %mul3A_118 : i32
      %dma_wait3A_120 = tpu.memref_slice %arg13[%mul3A_119] : memref<24000xf32, #tpu.memory_space<vmem>> -> memref<8000xf32, #tpu.memory_space<vmem>>
      %dma_wait3A_121 = tpu.memref_slice %arg2[%add3A_117] : memref<6400000xf32, #tpu.memory_space<hbm>> -> memref<8000xf32, #tpu.memory_space<hbm>>
      %dma_wait3A_122 = tpu.memref_slice %arg13[%mul3A_119] : memref<24000xf32, #tpu.memory_space<vmem>> -> memref<8000xf32, #tpu.memory_space<vmem>>
      %dma_wait3A_123 = tpu.memref_slice %arg2[%add3A_117] : memref<6400000xf32, #tpu.memory_space<hbm>> -> memref<8000xf32, #tpu.memory_space<hbm>>
      tpu.wait_dma2 semaphore(%arg17 : memref<!tpu.dma_semaphore, #tpu.memory_space<semaphore_mem>>) src(%dma_wait3A_123 : memref<8000xf32, #tpu.memory_space<hbm>>) dst(%dma_wait3A_122 : memref<8000xf32, #tpu.memory_space<vmem>>)
      %dma_wait3A_124 = tpu.memref_slice %arg14[%mul3A_119] : memref<24000xi32, #tpu.memory_space<vmem>> -> memref<8000xi32, #tpu.memory_space<vmem>>
      %dma_wait3A_125 = tpu.memref_slice %arg3[%add3A_117] : memref<6400000xi32, #tpu.memory_space<hbm>> -> memref<8000xi32, #tpu.memory_space<hbm>>
      %dma_wait3A_126 = tpu.memref_slice %arg14[%mul3A_119] : memref<24000xi32, #tpu.memory_space<vmem>> -> memref<8000xi32, #tpu.memory_space<vmem>>
      %dma_wait3A_127 = tpu.memref_slice %arg3[%add3A_117] : memref<6400000xi32, #tpu.memory_space<hbm>> -> memref<8000xi32, #tpu.memory_space<hbm>>
      tpu.wait_dma2 semaphore(%arg17 : memref<!tpu.dma_semaphore, #tpu.memory_space<semaphore_mem>>) src(%dma_wait3A_127 : memref<8000xi32, #tpu.memory_space<hbm>>) dst(%dma_wait3A_126 : memref<8000xi32, #tpu.memory_space<vmem>>)
      %add3A_128 = arith.constant 2 : i32
      %add3A_129 = arith.addi %scan3A_107, %add3A_128 : i32
      %lt3A = arith.constant 25 : i32
      %lt3A_130 = arith.cmpi slt, %add3A_129, %lt3A : i32
      %convert_element_type3A = arith.extui %lt3A_130 : i1 to i32
      %cond3A = arith.constant 0 : i32
      %cond3A_131 = arith.cmpi ne, %convert_element_type3A, %cond3A : i32
      scf.if %cond3A_131 {
        %add3A_147 = arith.constant 2 : i32
        %add3A_148 = arith.addi %scan3A_107, %add3A_147 : i32
        %add3A_149 = arith.constant 2 : i32
        %add3A_150 = arith.addi %scan3A_107, %add3A_149 : i32
        %rem3A_151 = arith.constant 3 : i32
        %rem3A_152 = arith.remsi %add3A_150, %rem3A_151 : i32
        %mul3A_153 = arith.constant 8000 : i32
        %mul3A_154 = arith.muli %add3A_148, %mul3A_153 : i32
        %add3A_155 = arith.addi %mul3A_2, %mul3A_154 : i32
        %mul3A_156 = arith.constant 8000 : i32
        %mul3A_157 = arith.muli %rem3A_152, %mul3A_156 : i32
        %dma_start3A_158 = tpu.memref_slice %arg13[%mul3A_157] : memref<24000xf32, #tpu.memory_space<vmem>> -> memref<8000xf32, #tpu.memory_space<vmem>>
        %dma_start3A_159 = tpu.memref_slice %arg2[%add3A_155] : memref<6400000xf32, #tpu.memory_space<hbm>> -> memref<8000xf32, #tpu.memory_space<hbm>>
        %dma_start3A_160 = tpu.memref_slice %arg13[%mul3A_157] : memref<24000xf32, #tpu.memory_space<vmem>> -> memref<8000xf32, #tpu.memory_space<vmem>>
        %dma_start3A_161 = tpu.memref_slice %arg2[%add3A_155] : memref<6400000xf32, #tpu.memory_space<hbm>> -> memref<8000xf32, #tpu.memory_space<hbm>>
        tpu.enqueue_dma source(%dma_start3A_161 : memref<8000xf32, #tpu.memory_space<hbm>>) target(%dma_start3A_160 : memref<8000xf32, #tpu.memory_space<vmem>>) target_semaphore(%arg17 : memref<!tpu.dma_semaphore, #tpu.memory_space<semaphore_mem>>)
        %dma_start3A_162 = tpu.memref_slice %arg14[%mul3A_157] : memref<24000xi32, #tpu.memory_space<vmem>> -> memref<8000xi32, #tpu.memory_space<vmem>>
        %dma_start3A_163 = tpu.memref_slice %arg3[%add3A_155] : memref<6400000xi32, #tpu.memory_space<hbm>> -> memref<8000xi32, #tpu.memory_space<hbm>>
        %dma_start3A_164 = tpu.memref_slice %arg14[%mul3A_157] : memref<24000xi32, #tpu.memory_space<vmem>> -> memref<8000xi32, #tpu.memory_space<vmem>>
        %dma_start3A_165 = tpu.memref_slice %arg3[%add3A_155] : memref<6400000xi32, #tpu.memory_space<hbm>> -> memref<8000xi32, #tpu.memory_space<hbm>>
        tpu.enqueue_dma source(%dma_start3A_165 : memref<8000xi32, #tpu.memory_space<hbm>>) target(%dma_start3A_164 : memref<8000xi32, #tpu.memory_space<vmem>>) target_semaphore(%arg17 : memref<!tpu.dma_semaphore, #tpu.memory_space<semaphore_mem>>)
      } else {
      }
      %ge3A = arith.constant 3 : i32
      %ge3A_132 = arith.cmpi sge, %scan3A_107, %ge3A : i32
      %convert_element_type3A_133 = arith.extui %ge3A_132 : i1 to i32
      %cond3A_134 = arith.constant 0 : i32
      %cond3A_135 = arith.cmpi ne, %convert_element_type3A_133, %cond3A_134 : i32
      scf.if %cond3A_135 {
        %mul3A_147 = arith.constant 8000 : i32
        %mul3A_148 = arith.muli %rem3A_109, %mul3A_147 : i32
        %dma_wait3A_149 = tpu.memref_slice %arg15[%mul3A_148] : memref<24000xf32, #tpu.memory_space<vmem>> -> memref<8000xf32, #tpu.memory_space<vmem>>
        %dma_wait3A_150 = tpu.memref_slice %arg7[%mul3A_2] : memref<6400000xf32, #tpu.memory_space<hbm>> -> memref<8000xf32, #tpu.memory_space<hbm>>
        %dma_wait3A_151 = tpu.memref_slice %arg7[%mul3A_2] : memref<6400000xf32, #tpu.memory_space<hbm>> -> memref<8000xf32, #tpu.memory_space<hbm>>
        %dma_wait3A_152 = tpu.memref_slice %arg15[%mul3A_148] : memref<24000xf32, #tpu.memory_space<vmem>> -> memref<8000xf32, #tpu.memory_space<vmem>>
        tpu.wait_dma2 semaphore(%arg18 : memref<!tpu.dma_semaphore, #tpu.memory_space<semaphore_mem>>) src(%dma_wait3A_152 : memref<8000xf32, #tpu.memory_space<vmem>>) dst(%dma_wait3A_151 : memref<8000xf32, #tpu.memory_space<hbm>>)
        %dma_wait3A_153 = tpu.memref_slice %arg16[%mul3A_148] : memref<24000xf32, #tpu.memory_space<vmem>> -> memref<8000xf32, #tpu.memory_space<vmem>>
        %dma_wait3A_154 = tpu.memref_slice %arg8[%mul3A_2] : memref<6400000xf32, #tpu.memory_space<hbm>> -> memref<8000xf32, #tpu.memory_space<hbm>>
        %dma_wait3A_155 = tpu.memref_slice %arg8[%mul3A_2] : memref<6400000xf32, #tpu.memory_space<hbm>> -> memref<8000xf32, #tpu.memory_space<hbm>>
        %dma_wait3A_156 = tpu.memref_slice %arg16[%mul3A_148] : memref<24000xf32, #tpu.memory_space<vmem>> -> memref<8000xf32, #tpu.memory_space<vmem>>
        tpu.wait_dma2 semaphore(%arg18 : memref<!tpu.dma_semaphore, #tpu.memory_space<semaphore_mem>>) src(%dma_wait3A_156 : memref<8000xf32, #tpu.memory_space<vmem>>) dst(%dma_wait3A_155 : memref<8000xf32, #tpu.memory_space<hbm>>)
      } else {
      }
      %parallel_loop3A = arith.constant 0 : i32
      %parallel_loop3A_136 = arith.constant 8000 : i32
      %parallel_loop3A_137 = arith.constant 16 : i32
      scf.for %parallel_loop3A_147 = %parallel_loop3A to %parallel_loop3A_136 step %parallel_loop3A_137  : i32 {
        %parallel_loop3A_148 = arith.addi %mul3A_114, %parallel_loop3A_147 : i32
        %parallel_loop3A_149 = arith.index_cast %parallel_loop3A_148 : i32 to index
        %parallel_loop3A_150 = tpu.vector_load %arg14[%parallel_loop3A_149] {strides = array<i32>} : memref<24000xi32, #tpu.memory_space<vmem>>, vector<16xi32>,
        %parallel_loop3A_151 = tpu.vector_load_idx %arg9[%parallel_loop3A_150] : memref<10000xf32, #tpu.memory_space<vmem>>[vector<16xi32>], vector<16xf32>,
        %parallel_loop3A_152 = tpu.vector_load_idx %arg10[%parallel_loop3A_150] : memref<10000xf32, #tpu.memory_space<vmem>>[vector<16xi32>], vector<16xf32>,
        %parallel_loop3A_153 = arith.addi %mul3A_114, %parallel_loop3A_147 : i32
        %parallel_loop3A_154 = arith.index_cast %parallel_loop3A_153 : i32 to index
        %parallel_loop3A_155 = tpu.vector_load %arg13[%parallel_loop3A_154] {strides = array<i32>} : memref<24000xf32, #tpu.memory_space<vmem>>, vector<16xf32>,
        %parallel_loop3A_156 = arith.divf %parallel_loop3A_151, %parallel_loop3A_155 : vector<16xf32>
        %parallel_loop3A_157 = arith.mulf %parallel_loop3A_156, %parallel_loop3A_156 : vector<16xf32>
        %parallel_loop3A_158 = arith.mulf %parallel_loop3A_157, %parallel_loop3A_157 : vector<16xf32>
        %parallel_loop3A_159 = arith.mulf %parallel_loop3A_158, %parallel_loop3A_157 : vector<16xf32>
        %parallel_loop3A_160 = arith.mulf %parallel_loop3A_159, %parallel_loop3A_159 : vector<16xf32>
        %parallel_loop3A_161 = arith.subf %parallel_loop3A_160, %parallel_loop3A_159 : vector<16xf32>
        %parallel_loop3A_162 = arith.constant 4.000000e+00 : f32
        %parallel_loop3A_163 = vector.broadcast %parallel_loop3A_162 : f32 to vector<16xf32>
        %parallel_loop3A_164 = arith.mulf %parallel_loop3A_152, %parallel_loop3A_163 : vector<16xf32>
        %parallel_loop3A_165 = arith.mulf %parallel_loop3A_161, %parallel_loop3A_164 : vector<16xf32>
        %parallel_loop3A_166 = arith.mulf %parallel_loop3A_151, %parallel_loop3A_151 : vector<16xf32>
        %parallel_loop3A_167 = arith.mulf %parallel_loop3A_166, %parallel_loop3A_166 : vector<16xf32>
        %parallel_loop3A_168 = arith.mulf %parallel_loop3A_167, %parallel_loop3A_166 : vector<16xf32>
        %parallel_loop3A_169 = arith.mulf %parallel_loop3A_168, %mul3A_37 : vector<16xf32>
        %parallel_loop3A_170 = arith.mulf %parallel_loop3A_169, %parallel_loop3A_169 : vector<16xf32>
        %parallel_loop3A_171 = arith.addf %parallel_loop3A_170, %parallel_loop3A_170 : vector<16xf32>
        %parallel_loop3A_172 = arith.subf %parallel_loop3A_171, %parallel_loop3A_169 : vector<16xf32>
        %parallel_loop3A_173 = arith.mulf %parallel_loop3A_152, %parallel_loop3A_155 : vector<16xf32>
        %parallel_loop3A_174 = arith.mulf %parallel_loop3A_172, %parallel_loop3A_173 : vector<16xf32>
        %parallel_loop3A_175 = arith.mulf %parallel_loop3A_174, %mul3A_40 : vector<16xf32>
        %parallel_loop3A_176 = arith.addi %mul3A_114, %parallel_loop3A_147 : i32
        %parallel_loop3A_177 = arith.index_cast %parallel_loop3A_176 : i32 to index
        %parallel_loop3A_178 = tpu.vector_load %arg15[%parallel_loop3A_177] {strides = array<i32>} : memref<24000xf32, #tpu.memory_space<vmem>>, vector<16xf32>,
        tpu.vector_store %arg15[%parallel_loop3A_177], %parallel_loop3A_165 {strides = array<i32>} : memref<24000xf32, #tpu.memory_space<vmem>>, vector<16xf32>,
        %parallel_loop3A_179 = arith.addi %mul3A_114, %parallel_loop3A_147 : i32
        %parallel_loop3A_180 = arith.index_cast %parallel_loop3A_179 : i32 to index
        %parallel_loop3A_181 = tpu.vector_load %arg16[%parallel_loop3A_180] {strides = array<i32>} : memref<24000xf32, #tpu.memory_space<vmem>>, vector<16xf32>,
        tpu.vector_store %arg16[%parallel_loop3A_180], %parallel_loop3A_175 {strides = array<i32>} : memref<24000xf32, #tpu.memory_space<vmem>>, vector<16xf32>,
      } {sc.loop_unroll_factor = 5 : i64, sc.parallel_access}
      %dma_start3A_138 = tpu.memref_slice %arg15[%mul3A_114] : memref<24000xf32, #tpu.memory_space<vmem>> -> memref<8000xf32, #tpu.memory_space<vmem>>
      %dma_start3A_139 = tpu.memref_slice %arg7[%add3A_112] : memref<6400000xf32, #tpu.memory_space<hbm>> -> memref<8000xf32, #tpu.memory_space<hbm>>
      %dma_start3A_140 = tpu.memref_slice %arg7[%add3A_112] : memref<6400000xf32, #tpu.memory_space<hbm>> -> memref<8000xf32, #tpu.memory_space<hbm>>
      %dma_start3A_141 = tpu.memref_slice %arg15[%mul3A_114] : memref<24000xf32, #tpu.memory_space<vmem>> -> memref<8000xf32, #tpu.memory_space<vmem>>
      tpu.enqueue_dma source(%dma_start3A_141 : memref<8000xf32, #tpu.memory_space<vmem>>) target(%dma_start3A_140 : memref<8000xf32, #tpu.memory_space<hbm>>) target_semaphore(%arg18 : memref<!tpu.dma_semaphore, #tpu.memory_space<semaphore_mem>>)
      %dma_start3A_142 = tpu.memref_slice %arg16[%mul3A_114] : memref<24000xf32, #tpu.memory_space<vmem>> -> memref<8000xf32, #tpu.memory_space<vmem>>
      %dma_start3A_143 = tpu.memref_slice %arg8[%add3A_112] : memref<6400000xf32, #tpu.memory_space<hbm>> -> memref<8000xf32, #tpu.memory_space<hbm>>
      %dma_start3A_144 = tpu.memref_slice %arg8[%add3A_112] : memref<6400000xf32, #tpu.memory_space<hbm>> -> memref<8000xf32, #tpu.memory_space<hbm>>
      %dma_start3A_145 = tpu.memref_slice %arg16[%mul3A_114] : memref<24000xf32, #tpu.memory_space<vmem>> -> memref<8000xf32, #tpu.memory_space<vmem>>
      tpu.enqueue_dma source(%dma_start3A_145 : memref<8000xf32, #tpu.memory_space<vmem>>) target(%dma_start3A_144 : memref<8000xf32, #tpu.memory_space<hbm>>) target_semaphore(%arg18 : memref<!tpu.dma_semaphore, #tpu.memory_space<semaphore_mem>>)
      %scan3A_146 = arith.constant 0 : i32
      scf.yield %scan3A_146 : i32
    }
    %scan3A_74 = arith.constant 25 : i32
    %mul3A_75 = arith.constant 0 : i32
    %mul3A_76 = arith.constant 8000 : i32
    %mul3A_77 = arith.muli %mul3A_75, %mul3A_76 : i32
    %dma_wait3A = tpu.memref_slice %arg15[%mul3A_77] : memref<24000xf32, #tpu.memory_space<vmem>> -> memref<8000xf32, #tpu.memory_space<vmem>>
    %dma_wait3A_78 = tpu.memref_slice %arg7[%mul3A_2] : memref<6400000xf32, #tpu.memory_space<hbm>> -> memref<8000xf32, #tpu.memory_space<hbm>>
    %dma_wait3A_79 = tpu.memref_slice %arg7[%mul3A_2] : memref<6400000xf32, #tpu.memory_space<hbm>> -> memref<8000xf32, #tpu.memory_space<hbm>>
    %dma_wait3A_80 = tpu.memref_slice %arg15[%mul3A_77] : memref<24000xf32, #tpu.memory_space<vmem>> -> memref<8000xf32, #tpu.memory_space<vmem>>
    tpu.wait_dma2 semaphore(%arg18 : memref<!tpu.dma_semaphore, #tpu.memory_space<semaphore_mem>>) src(%dma_wait3A_80 : memref<8000xf32, #tpu.memory_space<vmem>>) dst(%dma_wait3A_79 : memref<8000xf32, #tpu.memory_space<hbm>>)
    %dma_wait3A_81 = tpu.memref_slice %arg16[%mul3A_77] : memref<24000xf32, #tpu.memory_space<vmem>> -> memref<8000xf32, #tpu.memory_space<vmem>>
    %dma_wait3A_82 = tpu.memref_slice %arg8[%mul3A_2] : memref<6400000xf32, #tpu.memory_space<hbm>> -> memref<8000xf32, #tpu.memory_space<hbm>>
    %dma_wait3A_83 = tpu.memref_slice %arg8[%mul3A_2] : memref<6400000xf32, #tpu.memory_space<hbm>> -> memref<8000xf32, #tpu.memory_space<hbm>>
    %dma_wait3A_84 = tpu.memref_slice %arg16[%mul3A_77] : memref<24000xf32, #tpu.memory_space<vmem>> -> memref<8000xf32, #tpu.memory_space<vmem>>
    tpu.wait_dma2 semaphore(%arg18 : memref<!tpu.dma_semaphore, #tpu.memory_space<semaphore_mem>>) src(%dma_wait3A_84 : memref<8000xf32, #tpu.memory_space<vmem>>) dst(%dma_wait3A_83 : memref<8000xf32, #tpu.memory_space<hbm>>)
    %mul3A_85 = arith.constant 1 : i32
    %mul3A_86 = arith.constant 8000 : i32
    %mul3A_87 = arith.muli %mul3A_85, %mul3A_86 : i32
    %dma_wait3A_88 = tpu.memref_slice %arg15[%mul3A_87] : memref<24000xf32, #tpu.memory_space<vmem>> -> memref<8000xf32, #tpu.memory_space<vmem>>
    %dma_wait3A_89 = tpu.memref_slice %arg7[%mul3A_2] : memref<6400000xf32, #tpu.memory_space<hbm>> -> memref<8000xf32, #tpu.memory_space<hbm>>
    %dma_wait3A_90 = tpu.memref_slice %arg7[%mul3A_2] : memref<6400000xf32, #tpu.memory_space<hbm>> -> memref<8000xf32, #tpu.memory_space<hbm>>
    %dma_wait3A_91 = tpu.memref_slice %arg15[%mul3A_87] : memref<24000xf32, #tpu.memory_space<vmem>> -> memref<8000xf32, #tpu.memory_space<vmem>>
    tpu.wait_dma2 semaphore(%arg18 : memref<!tpu.dma_semaphore, #tpu.memory_space<semaphore_mem>>) src(%dma_wait3A_91 : memref<8000xf32, #tpu.memory_space<vmem>>) dst(%dma_wait3A_90 : memref<8000xf32, #tpu.memory_space<hbm>>)
    %dma_wait3A_92 = tpu.memref_slice %arg16[%mul3A_87] : memref<24000xf32, #tpu.memory_space<vmem>> -> memref<8000xf32, #tpu.memory_space<vmem>>
    %dma_wait3A_93 = tpu.memref_slice %arg8[%mul3A_2] : memref<6400000xf32, #tpu.memory_space<hbm>> -> memref<8000xf32, #tpu.memory_space<hbm>>
    %dma_wait3A_94 = tpu.memref_slice %arg8[%mul3A_2] : memref<6400000xf32, #tpu.memory_space<hbm>> -> memref<8000xf32, #tpu.memory_space<hbm>>
    %dma_wait3A_95 = tpu.memref_slice %arg16[%mul3A_87] : memref<24000xf32, #tpu.memory_space<vmem>> -> memref<8000xf32, #tpu.memory_space<vmem>>
    tpu.wait_dma2 semaphore(%arg18 : memref<!tpu.dma_semaphore, #tpu.memory_space<semaphore_mem>>) src(%dma_wait3A_95 : memref<8000xf32, #tpu.memory_space<vmem>>) dst(%dma_wait3A_94 : memref<8000xf32, #tpu.memory_space<hbm>>)
    %mul3A_96 = arith.constant 2 : i32
    %mul3A_97 = arith.constant 8000 : i32
    %mul3A_98 = arith.muli %mul3A_96, %mul3A_97 : i32
    %dma_wait3A_99 = tpu.memref_slice %arg15[%mul3A_98] : memref<24000xf32, #tpu.memory_space<vmem>> -> memref<8000xf32, #tpu.memory_space<vmem>>
    %dma_wait3A_100 = tpu.memref_slice %arg7[%mul3A_2] : memref<6400000xf32, #tpu.memory_space<hbm>> -> memref<8000xf32, #tpu.memory_space<hbm>>
    %dma_wait3A_101 = tpu.memref_slice %arg7[%mul3A_2] : memref<6400000xf32, #tpu.memory_space<hbm>> -> memref<8000xf32, #tpu.memory_space<hbm>>
    %dma_wait3A_102 = tpu.memref_slice %arg15[%mul3A_98] : memref<24000xf32, #tpu.memory_space<vmem>> -> memref<8000xf32, #tpu.memory_space<vmem>>
    tpu.wait_dma2 semaphore(%arg18 : memref<!tpu.dma_semaphore, #tpu.memory_space<semaphore_mem>>) src(%dma_wait3A_102 : memref<8000xf32, #tpu.memory_space<vmem>>) dst(%dma_wait3A_101 : memref<8000xf32, #tpu.memory_space<hbm>>)
    %dma_wait3A_103 = tpu.memref_slice %arg16[%mul3A_98] : memref<24000xf32, #tpu.memory_space<vmem>> -> memref<8000xf32, #tpu.memory_space<vmem>>
    %dma_wait3A_104 = tpu.memref_slice %arg8[%mul3A_2] : memref<6400000xf32, #tpu.memory_space<hbm>> -> memref<8000xf32, #tpu.memory_space<hbm>>
    %dma_wait3A_105 = tpu.memref_slice %arg8[%mul3A_2] : memref<6400000xf32, #tpu.memory_space<hbm>> -> memref<8000xf32, #tpu.memory_space<hbm>>
    %dma_wait3A_106 = tpu.memref_slice %arg16[%mul3A_98] : memref<24000xf32, #tpu.memory_space<vmem>> -> memref<8000xf32, #tpu.memory_space<vmem>>
    tpu.wait_dma2 semaphore(%arg18 : memref<!tpu.dma_semaphore, #tpu.memory_space<semaphore_mem>>) src(%dma_wait3A_106 : memref<8000xf32, #tpu.memory_space<vmem>>) dst(%dma_wait3A_105 : memref<8000xf32, #tpu.memory_space<hbm>>)
    return
  }
}

</mosaic_0001>

<sc_bundles>
// kernel: kernel.4.cloned.1.call-start
scs
__scs_entry_jumppad:
0x0: {  	(pc) =	sbr.rel $0x88, $3  }
0x1: {  	(tag) =	ssettag $0x0;
	lr =	simm.s32 $0x1  }
0x2: {  	[smem:$0x3F9D] =	sst lr;
	_ =	strace $0xD0000000  }
0x3: {  	_ = 	snop  }
0x4: {  	_ = 	snop  }
0x5: {  	_ = 	snop  }
0x6: {  	_ = 	snop  }
0x7: {  	_ = 	snop  }
__scs_overlays_trampoline_lowered:
0x8: {  	[smem:$0x3FAC] =	sst s0  }
0x9: {  	[smem:$0x3FAD] =	sst s1  }
0xa: {  	[smem:$0x3FAE] =	sst s2  }
0xb: {  	[smem:$0x3FAF] =	sst s3  }
0xc: {  	[smem:$0x3FB0] =	sst s4  }
0xd: {  	[smem:$0x3FB1] =	sst s5  }
0xe: {  	[smem:$0x3FB2] =	sst s6  }
0xf: {  	[smem:$0x3FB3] =	sst s7  }
0x10: {  	[smem:$0x3FB4] =	sst s8  }
0x11: {  	[smem:$0x3FB5] =	sst s9;
	s0 =	simm.s32 @!p0 $0x0  }
0x12: {  	s1 =	sld [smem:$0x3F9B];
	s0 =	simm.s32 @p0 $0x1  }
0x13: {  	[smem:$0x3FB6] =	sst s0;
	s0 =	simm.s32 @!p1 $0x0  }
0x14: {  	s2 =	sld [smem:$0x3F9A];
	s0 =	simm.s32 @p1 $0x1  }
0x15: {  	[smem:$0x3FB7] =	sst s0;
	s0 =	simm.s32 @!p2 $0x0  }
0x16: {  	s3 =	sld [smem:$0x3FDB];
	s0 =	simm.s32 @p2 $0x1  }
0x17: {  	s4 =	simm.s32 $0x1BF5;
	[smem:$0x3FB9] =	sst s0  }
0x18: {  	s0 =	sld [smem:$0x3F9C];
	_ =	swait.ge [sflag:s4], $0x0  }
0x19: {  	s7 =	sld [smem:$0x3F9D]  }
0x1a: {  	s8 =	sadd.s32 $0xFFFFE003, lr  }
0x1b: {  	s9 =	sadd.s32 $0xFFFFFEF7, lr;
	s5 =	simm.s32 $0xFFFFFFFF;
	p2 =	slt.u32 s8, $0xFFFFF086  }
0x1c: {  	p1 =	slt.u32 s9, $0xF7A;
	s5 =	simm.s32 @!p2 $0x0  }
0x1d: {  	s5 =	simm.s32 @p1 $0x1;
	p0 =	seq.s32 s7, s2  }
0x1e: {  	s7 =	smul.u32 @!p0 $0xF7A, s2;
	p2 =	seq.s32 @!p0 s5, $0x0  }
0x1f: {  	s9 =	smul.u32 $0xF7A, s1;
	s8 =	simm.s32 @!p0 $0x1BF5;
	p2 =	por !p2, p0  }
0x20: {  	[sflag:s8] =	ssyncset.s32 @!p0 $0xFFFFF086;
	s6 =	sadd.s32 @!p0 s3, s7;
	s7 =	simm.s32 @!p0 $0x108  }
0x21: {  	s3 =	sadd.s32 s3, s9;
	s6 =	sadd.s32 @!p0 $0x88, s6;
	s7 =	simm.s32 @p2 $0x1082  }
0x22: {  	[simem:s7], [sflag:s8] =	dma.local @!p0 [hbm:s6], $0xF7A  }
0x23: {  	s9 =	sor.u32 $0xD0000000, s2;
	s6 =	simm.s32 $0x108;
	_ =	swait.ge @!p0 [sflag:s8], $0x0  }
0x24: {  	s3 =	sadd.s32 $0x88, s3;
	s6 =	simm.s32 @!p1 $0x1082;
	[sflag:s4] =	ssyncset.s32 $0xFFFFF086  }
0x25: {  	[simem:s6], [sflag:s4] =	dma.local [hbm:s3], $0xF7A  }
0x26: {  	[smem:$0x3F9D] =	sst s1;
	(tag) =	ssettag s2;
	_ =	strace s9  }
0x27: {  	s1 =	sld [smem:$0x3FAD]  }
0x28: {  	s2 =	sld [smem:$0x3FAE]  }
0x29: {  	s4 =	sld [smem:$0x3FB0]  }
0x2a: {  	p0 =	seq.s32 s5, $0x0;
	s5 =	sld [smem:$0x3FB1]  }
0x2b: {  	s6 =	sld [smem:$0x3FB2]  }
0x2c: {  	s7 =	sld [smem:$0x3FB3]  }
0x2d: {  	s3 =	simm.s32 $0x108;
	s8 =	sld [smem:$0x3FB4]  }
0x2e: {  	s3 =	simm.s32 @!p0 $0x1082;
	s9 =	sld [smem:$0x3FB5]  }
0x2f: {  	lr =	sadd.s32 s0, s3;
	s0 =	sld [smem:$0x3FAC]  }
0x30: {  	s3 =	sld [smem:$0x3FAF]  }
0x31: {  	[smem:$0x3FB8] =	sst s10  }
0x32: {  	s10 =	sld [smem:$0x3FB6];
	_ =	sdelay $0x3  }
0x33: {  	p0 =	seq.s32 s10, $0x1;
	s10 =	sld [smem:$0x3FB8];
	_ =	sdelay $0x3  }
0x34: {  	[smem:$0x3FB8] =	sst s10  }
0x35: {  	s10 =	sld [smem:$0x3FB7];
	_ =	sdelay $0x3  }
0x36: {  	p1 =	seq.s32 s10, $0x1;
	s10 =	sld [smem:$0x3FB8];
	_ =	sdelay $0x3  }
0x37: {  	[smem:$0x3FB8] =	sst s10  }
0x38: {  	s10 =	sld [smem:$0x3FB9]  }
0x39: {  	_ = 	snop;
	(pc) =	sbr.ind lr, $3  }
0x3a: {  	_ = 	snop  }
0x3b: {  	_ = 	snop  }
0x3c: {  	p2 =	seq.s32 s10, $0x1;
	s10 =	sld [smem:$0x3FB8]  }
0x3d: {  	_ =	shalt  }
0x3e: {  	_ =	shalt  }
0x3f: {  	_ =	shalt  }
0x40: {  	_ =	shalt  }
0x41: {  	_ =	shalt  }
0x42: {  	_ =	shalt  }
0x43: {  	_ =	shalt  }
0x44: {  	_ =	shalt  }
0x45: {  	_ =	shalt  }
0x46: {  	_ =	shalt  }
0x47: {  	_ =	shalt  }
0x48: {  	_ =	shalt  }
0x49: {  	_ =	shalt  }
0x4a: {  	_ =	shalt  }
0x4b: {  	_ =	shalt  }
0x4c: {  	_ =	shalt  }
0x4d: {  	_ =	shalt  }
0x4e: {  	_ =	shalt  }
0x4f: {  	_ =	shalt  }
0x50: {  	_ =	shalt  }
0x51: {  	_ =	shalt  }
0x52: {  	_ =	shalt  }
0x53: {  	_ =	shalt  }
0x54: {  	_ =	shalt  }
0x55: {  	_ =	shalt  }
0x56: {  	_ =	shalt  }
0x57: {  	_ =	shalt  }
0x58: {  	_ =	shalt  }
0x59: {  	_ =	shalt  }
0x5a: {  	_ =	shalt  }
0x5b: {  	_ =	shalt  }
0x5c: {  	_ =	shalt  }
0x5d: {  	_ =	shalt  }
0x5e: {  	_ =	shalt  }
0x5f: {  	_ =	shalt  }
0x60: {  	_ =	shalt  }
0x61: {  	_ =	shalt  }
0x62: {  	_ =	shalt  }
0x63: {  	_ =	shalt  }
0x64: {  	_ =	shalt  }
0x65: {  	_ =	shalt  }
0x66: {  	_ =	shalt  }
0x67: {  	_ =	shalt  }
0x68: {  	_ =	shalt  }
0x69: {  	_ =	shalt  }
0x6a: {  	_ =	shalt  }
0x6b: {  	_ =	shalt  }
0x6c: {  	_ =	shalt  }
0x6d: {  	_ =	shalt  }
0x6e: {  	_ =	shalt  }
0x6f: {  	_ =	shalt  }
0x70: {  	_ =	shalt  }
0x71: {  	_ =	shalt  }
0x72: {  	_ =	shalt  }
0x73: {  	_ =	shalt  }
0x74: {  	_ =	shalt  }
0x75: {  	_ =	shalt  }
0x76: {  	_ =	shalt  }
0x77: {  	_ =	shalt  }
0x78: {  	_ =	shalt  }
0x79: {  	_ =	shalt  }
0x7a: {  	_ =	shalt  }
0x7b: {  	_ =	shalt  }
0x7c: {  	_ =	shalt  }
0x7d: {  	_ =	shalt  }
0x7e: {  	_ =	shalt  }
0x7f: {  	_ =	shalt  }
0x80: {  	_ =	shalt  }
0x81: {  	_ =	shalt  }
0x82: {  	_ =	shalt  }
0x83: {  	_ =	shalt  }
0x84: {  	_ =	shalt  }
0x85: {  	_ =	shalt  }
0x86: {  	_ =	shalt  }
0x87: {  	_ =	shalt  }
.Lfunc_end0:
.L_simem_size_0:
called_computation_lowered:
.L_overlay_start_0:
0x88: {  	s2 =	sld [smem:$0x3FD9]  }
0x89: {  	s3 =	sld [smem:$0x3FFE];
	_ =	sdelay $0x1  }
0x8a: {  	s1 =	srdreg.scid  }
0x8b: {  	s0 =	sand.u32 $0x1, s1  }
0x8c: {  	s17 =	sshll.u32 s0, $0xA;
	s2 =	sadd.s32 s3, s2  }
0x8d: {  	s2 =	sadd.s32 s2, s17  }
0x8e: {  	[smem:$0x3FC4] =	sst s2  }
0x8f: {  	_ = 	snop  }
0x90: {  	s2 =	sld [smem:$0x3FC9];
	(tm) =	ssettm $0x1  }
0x91: {  	s18 =	sld [smem:$0x3FFB];
	_ =	sdelay $0x3  }
0x92: {  	_ =	strace s18  }
0x93: {  	s3 =	sld [smem:$0x3FFC];
	_ =	sdelay $0x3  }
0x94: {  	_ =	strace s3  }
0x95: {  	s3 =	sld [smem:$0x3FFD];
	_ =	sdelay $0x3  }
0x96: {  	_ =	strace s3  }
0x97: {  	_ =	strace $0x8FFFFFFF  }
0x98: {  	s19 =	sld [smem:$0x3FDB];
	_ =	sdelay $0x1  }
0x99: {  	s4 =	simm.s32 $_scs_section_size  }
0x9a: {  	s5 =	simm.s32 $_size__tile_overlayer_lowered;
	s6 =	simm.s32 $_tile_overlayer_lowered  }
0x9b: {  	s22 =	simm.s32 $0x1BFF;
	s21 =	sshll.u32 s6, $0x1;
	s3 =	sadd.s32 s4, s19  }
0x9c: {  	s7 =	simm.s32 $0x0;
	s20 =	sshll.u32 s5, $0x1;
	s5 =	sadd.s32 s21, s3  }
0x9d: {  	[timem:s7], [sflag:s22] =	dma.local [hbm:s5], s20  }
0x9e: {  	_ =	swait.ge [sflag:s22], s20  }
0x9f: {  	s4 =	ssub.s32 $0x0, s20;
	[sflag:s22] =	ssyncset.done $0x0  }
0xa0: {  	[sflag:s22] =	ssyncadd.s32 s4;
	_ =	sdelay $0x1  }
0xa1: {  	s23 =	simm.s32 $0x1B8B  }
0xa2: {  	_ =	swait.ge [sflag:s23], $0x1  }
0xa3: {  	[sflag:s23] =	ssyncset.done $0x0  }
0xa4: {  	s25 =	simm.s32 $0x1B8E;
	s24 =	sld [smem:$0x3FFE];
	[sflag:s23] =	ssyncadd.s32 $0xFFFFFFFF  }
0xa5: {  	s26 =	simm.s32 $execute0_lowered;
	[smem:$0x3FD2] =	sst s25  }
0xa6: {  	s5 =	sshll.u32 s26, $0x1;
	_ =	strace $0x80000046;
	[dreg:$0x1] =	wrdreg $0xFFFFFFFF  }
0xa7: {  	s28 =	simm.s32 $_size_execute0_lowered;
	s3 =	sadd.s32 s3, s5;
	[dreg:$0x0] =	wrdreg $0x0  }
0xa8: {  	s5 =	sshll.u32 s28, $0x1;
	[dreg:$0x2] =	wrdreg s3  }
0xa9: {  	[dreg:$0x3] =	wrdreg s5  }
0xaa: {  	[dreg:$0x4] =	wrdreg $0xC0  }
0xab: {  	_ =	task [dreg:s7], $0x5FFFF  }
0xac: {  	[dreg:$0x1] =	wrdreg $0xFFFFFFFF  }
0xad: {  	[dreg:$0x0] =	wrdreg $0x60  }
0xae: {  	[dreg:$0x2] =	wrdreg s2  }
0xaf: {  	[dreg:$0x3] =	wrdreg s24  }
0xb0: {  	[dreg:$0x4] =	wrdreg $0x9  }
0xb1: {  	_ =	task.clear_ibuf [dreg:s7], $0x5FFFF;
	_ =	strace $0x90000046  }
0xb2: {  	s29 =	simm.s32 $0x9;
	_ =	strace $0x80000048  }
0xb3: {  	_ =	swait.ge [sflag:s29], $0x1  }
0xb4: {  	[sflag:s29] =	ssyncadd.s32 $0xFFFFFFFF  }
0xb5: {  	_ =	strace $0x90000048  }
0xb6: {  	_ =	sfence  }
0xb7: {  	s30 =	sld [smem:$0x0];
	_ =	sdelay $0x2  }
0xb8: {  	s31 =	sshll.u32 s1, $0xD;
	s1 =	sshrl.u32 s1, $0x2  }
0xb9: {  	s3 =	sand.u32 $0x4000, s31;
	s1 =	sadd.s32 s1, s30  }
0xba: {  	s0 =	sor.u32 s3, s0;
	s1 =	sshll.u32 s1, $0x11  }
0xbb: {  	s0 =	sor.u32 s1, s0  }
0xbc: {  	s0 =	sadd.s32 $0x8F2B, s0  }
0xbd: {  	[sflag:s0] =	ssyncadd.remote.s32 $0x1  }
0xbe: {  	_ =	sfence.sel $0xFFFF  }
0xbf: {  	[dreg:$0x0] =	wrdreg $0xFFFFFFFF;
	(pc) =	sbr.abs _section_cstart, $3  }
0xc0: {  	[dreg:$0x1] =	wrdreg $0xFFFFFFFF  }
0xc1: {  	_ =	task.clear_ibuf [dreg:s7], $0x2FFFF;
	_ =	strace $0x9FFFFFFF  }
0xc2: {  	(tm) =	ssettm $0x7FFFFFFF  }
0xc3: {  	_ =	shalt  }
tec
execute0_lowered:
.L_overlay_start_1:
0x0: {  	(tag) =	ssettag $0x1  }
0x1: {  	s2 =	rddreg [dreg:$0x0];
	s1 =	srdreg.scid  }
0x2: {  	s0 =	stileid.u32;
	s5 =	rddreg [dreg:$0x1]  }
0x3: {  	s3 =	simm.s32 $0x0;
	s10 =	simm.s32 $0x2;
	s11 =	simm.s32 $0x0  }
0x4: {  	s6 =	sand.u32 $0x1, s1;
	s4 =	sshll.u32 s0, $0x1;
	s1 =	rddreg [dreg:$0x2]  }
0x5: {  	[smem:$0x7FF] =	sst s3;
	s7 =	sor.u32 s6, s4;
	s6 =	ssub.s32 $0x2, s6  }
0x6: {  	s4 =	smul.u32 $0x30D40, s7;
	s7 =	sshll.u32 s7, $0x1;
	s8 =	sshrl.u32 s6, $0x1  }
0x7: {  	_ =	strace $0x80000047;
	s7 =	sadd.s32 s7, s5;
	s8 =	ssub.s32 s6, s8  }
0x8: {  	s9 =	sshrl.u32 s4, $0x3;
	s6 =	sadd.s32 $0xE00, s7;
	s7 =	smax.u32 s8, $0x1  }
0x9: {  	s8 =	simm.s32 $0x1;
	s5 =	sadd.s32 s2, s9;
	s9 =	simm.s32 $0x18700  }
.LBB2_1:
0xa: {  	[tilespmem:s3], [sflag:$0x1] =	stream.linear.gather [hbm4b:s5+s3], $0xC350, $0x38;
	[tilespmem:$0x18780] =	vst v63  }
0xb: {  	v0 =	vimm.f32 $0.0e+00;
	p0 =	por $0x0, $0x0;
	s12 =	simm.s32 $0x0  }
.LBB2_3:
0xc: {  	s13 =	simm.s32 $0x1  }
0xd: {  	s14 =	smov.u32 s12;
	s13 =	simm.s32 @!p0 $0x0  }
0xe: {  	s12 =	sadd.s32 $0x1, s12;
	p1 =	seq.s32 s14, $0x3;
	s13 =	smul.u32 $0x30D40, s13  }
0xf: {  	_ =	swait.ge [sflag:s8], $0xC350;
	s14 =	sand.u32 $0x1, s14;
	s15 =	smul.u32 @!p1 $0xC350, s12  }
0x10: {  	[sflag:s8] =	ssyncset.done $0x0;
	s14 =	sxor.u32 @!p1 $0x1, s14  }
0x11: {  	s14 =	smul.u32 @!p1 $0x30D40, s14;
	s13 =	sshrl.u32 s13, $0x2;
	s15 =	sadd.s32 @!p1 s4, s15  }
0x12: {  	[sflag:s8] =	ssyncadd.s32 $0xFFFF3CB0;
	s16 =	sadd.s32 $0x20, s13;
	s13 =	sshrl.u32 @!p1 s15, $0x3  }
0x13: {  	s14 =	sshrl.u32 @!p1 s14, $0x2;
	s15 =	simm.s32 @!p1 $0x0;
	s13 =	sadd.s32 @!p1 s2, s13  }
0x14: {  	[tilespmem:s14], [sflag:$0x1] =	stream.linear.gather @!p1 [hbm4b:s13+s15], $0xC350, $0x38;
	[tilespmem:$0x18780] =	vst v63  }
0x15: {  	v1 =	vld [tilespmem:s16+$0xFFFFFFE0];
	_ =	sdelay $0x2  }
0x16: {  	v2 =	vld [tilespmem:s16+$0xFFFFFFF0];
	_ =	sdelay $0x1  }
0x17: {  	v3 =	vld [tilespmem:s16+$0x0];
	v1 =	vmul.f32 v1, v1;
	_ =	sdelay $0x1  }
0x18: {  	v4 =	vadd.f32 v1, v0;
	v0 =	vld [tilespmem:s16+$0x10]  }
0x19: {  	v2 =	vmul.f32 v2, v2  }
0x1a: {  	v1 =	vld [tilespmem:s16+$0x20]  }
0x1b: {  	s13 =	simm.s32 $0x0;
	s14 =	sadd.s32 $0x50, s16;
	v3 =	vmul.f32 v3, v3;
	v2 =	vadd.f32 v2, v4  }
.LBB2_4:
0x1c: {  	v4 =	vld [tilespmem:s14+$0xFFFFFFE0];
	s13 =	sadd.s32 $0x50, s13  }
0x1d: {  	p1 =	slt.u32 s13, $0xC300;
	v2 =	vadd.f32 v3, v2;
	v0 =	vmul.f32 v0, v0  }
0x1e: {  	v3 =	vld [tilespmem:s14+$0xFFFFFFF0]  }
0x1f: {  	v0 =	vadd.f32 v0, v2;
	v1 =	vmul.f32 v1, v1  }
0x20: {  	v5 =	vld [tilespmem:s14+$0x0]  }
.Ltmp0:
0x21: {  	v2 =	vmul.f32 v4, v4;
	v1 =	vadd.f32 v1, v0;
	(pc) =	sbr.rel @p1 .LBB2_4-.Ltmp0, $4  }
0x22: {  	v0 =	vld [tilespmem:s14+$0x10]  }
0x23: {  	v2 =	vadd.f32 v2, v1;
	v3 =	vmul.f32 v3, v3  }
0x24: {  	v1 =	vld [tilespmem:s14+$0x20]  }
0x25: {  	s14 =	sadd.s32 $0x50, s14;
	v2 =	vadd.f32 v3, v2;
	v3 =	vmul.f32 v5, v5  }
0x26: {  	_ = 	snop  }
0x27: {  	v2 =	vadd.f32 v3, v2;
	v0 =	vmul.f32 v0, v0;
	_ =	sdelay $0x1  }
0x28: {  	v0 =	vadd.f32 v0, v2;
	v1 =	vmul.f32 v1, v1;
	_ =	sdelay $0x1  }
0x29: {  	v0 =	vadd.f32 v1, v0  }
0x2a: {  	p1 =	seq.s32 s12, $0x4  }
.Ltmp1:
0x2b: {  	_ = 	snop;
	(pc) =	sbr.rel @!p1 .LBB2_3-.Ltmp1, $2  }
0x2c: {  	_ =	sdelay $0x2  }
0x2d: {  	p0 =	por !p0, !p0  }
0x2e: {  	s11 =	sadd.s32 $0x1, s11  }
0x2f: {  	p0 =	sne.s32 s11, s7  }
.Ltmp2:
0x30: {  	[tilespmem:$0x18700] =	vst v0;
	(pc) =	sbr.rel @p0 .LBB2_1-.Ltmp2, $4  }
0x31: {  	[hbm4b:s6+s3] =	stream.linear.scatter [tilespmem:s9], [sflag:$0x2], $0x10, $0x38;
	[tilespmem:$0x18780] =	vst v63  }
0x32: {  	_ =	swait.ge [sflag:s10], $0x10  }
0x33: {  	[sflag:s10] =	ssyncset.done $0x0  }
0x34: {  	[sflag:s10] =	ssyncadd.s32 $0xFFFFFFF0  }
0x35: {  	_ =	sfence.sel $0x180000  }
0x36: {  	[bflag:$0x0] =	sbarrier.arrive $0xFFFF  }
0x37: {  	p0 =	sne.s32 s0, $0x0;
	_ =	strace $0x90000047  }
0x38: {  	s0 =	sadd.s32 @!p0 $0x100000, s1;
	[bflag:$0x2] =	sbarrier.arrive $0xFFFF  }
0x39: {  	[sflag:s0] =	ssyncadd.tile.s32 @!p0 $0x1;
	_ =	shalt  }
.Lfunc_end2:
_tile_overlayer_lowered:
.L_overlay_start_2:
0x3a: {  	(tag) =	ssettag $0x2  }
0x3b: {  	s0 =	rddreg [dreg:$0x0];
	s2 =	stileid.u32  }
0x3c: {  	s1 =	rddreg [dreg:$0x1];
	p0 =	sne.s32 s2, $0x0  }
0x3d: {  	s3 =	rddreg [dreg:$0x2];
	[bflag:$0x3] =	sbarrier.arrive $0xFFFF;
	s2 =	simm.s32 @!p0 $0x1C02  }
0x3e: {  	[timem:s3], [sflag:s2] =	dma.local @!p0 [hbm:s0], s1  }
0x3f: {  	s0 =	simm.s32 @!p0 $0x2  }
0x40: {  	_ =	swait.ge @!p0 [sflag:s0], s1  }
0x41: {  	s1 =	ssub.s32 @!p0 $0x0, s1;
	[sflag:s0] =	ssyncset.done @!p0 $0x0  }
0x42: {  	[sflag:s0] =	ssyncadd.s32 @!p0 s1  }
0x43: {  	[bflag:$0x3] =	sbarrier.arrive $0xFFFF  }
0x44: {  	_ =	shalt  }

// kernel: kernel.7.cloned.1.call-start
scs
__scs_entry_jumppad:
0x0: {  	(pc) =	sbr.rel $0x88, $3  }
0x1: {  	(tag) =	ssettag $0x0;
	lr =	simm.s32 $0x1  }
0x2: {  	[smem:$0x3F9D] =	sst lr;
	_ =	strace $0xD0000000  }
0x3: {  	_ = 	snop  }
0x4: {  	_ = 	snop  }
0x5: {  	_ = 	snop  }
0x6: {  	_ = 	snop  }
0x7: {  	_ = 	snop  }
__scs_overlays_trampoline_lowered:
0x8: {  	[smem:$0x3FAC] =	sst s0  }
0x9: {  	[smem:$0x3FAD] =	sst s1  }
0xa: {  	[smem:$0x3FAE] =	sst s2  }
0xb: {  	[smem:$0x3FAF] =	sst s3  }
0xc: {  	[smem:$0x3FB0] =	sst s4  }
0xd: {  	[smem:$0x3FB1] =	sst s5  }
0xe: {  	[smem:$0x3FB2] =	sst s6  }
0xf: {  	[smem:$0x3FB3] =	sst s7  }
0x10: {  	[smem:$0x3FB4] =	sst s8  }
0x11: {  	[smem:$0x3FB5] =	sst s9;
	s0 =	simm.s32 @!p0 $0x0  }
0x12: {  	s1 =	sld [smem:$0x3F9B];
	s0 =	simm.s32 @p0 $0x1  }
0x13: {  	[smem:$0x3FB6] =	sst s0;
	s0 =	simm.s32 @!p1 $0x0  }
0x14: {  	s2 =	sld [smem:$0x3F9A];
	s0 =	simm.s32 @p1 $0x1  }
0x15: {  	[smem:$0x3FB7] =	sst s0;
	s0 =	simm.s32 @!p2 $0x0  }
0x16: {  	s3 =	sld [smem:$0x3FDB];
	s0 =	simm.s32 @p2 $0x1  }
0x17: {  	s4 =	simm.s32 $0x1BF5;
	[smem:$0x3FB9] =	sst s0  }
0x18: {  	s0 =	sld [smem:$0x3F9C];
	_ =	swait.ge [sflag:s4], $0x0  }
0x19: {  	s7 =	sld [smem:$0x3F9D]  }
0x1a: {  	s8 =	sadd.s32 $0xFFFFE003, lr  }
0x1b: {  	s9 =	sadd.s32 $0xFFFFFEF7, lr;
	s5 =	simm.s32 $0xFFFFFFFF;
	p2 =	slt.u32 s8, $0xFFFFF086  }
0x1c: {  	p1 =	slt.u32 s9, $0xF7A;
	s5 =	simm.s32 @!p2 $0x0  }
0x1d: {  	s5 =	simm.s32 @p1 $0x1;
	p0 =	seq.s32 s7, s2  }
0x1e: {  	s7 =	smul.u32 @!p0 $0xF7A, s2;
	p2 =	seq.s32 @!p0 s5, $0x0  }
0x1f: {  	s9 =	smul.u32 $0xF7A, s1;
	s8 =	simm.s32 @!p0 $0x1BF5;
	p2 =	por !p2, p0  }
0x20: {  	[sflag:s8] =	ssyncset.s32 @!p0 $0xFFFFF086;
	s6 =	sadd.s32 @!p0 s3, s7;
	s7 =	simm.s32 @!p0 $0x108  }
0x21: {  	s3 =	sadd.s32 s3, s9;
	s6 =	sadd.s32 @!p0 $0x88, s6;
	s7 =	simm.s32 @p2 $0x1082  }
0x22: {  	[simem:s7], [sflag:s8] =	dma.local @!p0 [hbm:s6], $0xF7A  }
0x23: {  	s9 =	sor.u32 $0xD0000000, s2;
	s6 =	simm.s32 $0x108;
	_ =	swait.ge @!p0 [sflag:s8], $0x0  }
0x24: {  	s3 =	sadd.s32 $0x88, s3;
	s6 =	simm.s32 @!p1 $0x1082;
	[sflag:s4] =	ssyncset.s32 $0xFFFFF086  }
0x25: {  	[simem:s6], [sflag:s4] =	dma.local [hbm:s3], $0xF7A  }
0x26: {  	[smem:$0x3F9D] =	sst s1;
	(tag) =	ssettag s2;
	_ =	strace s9  }
0x27: {  	s1 =	sld [smem:$0x3FAD]  }
0x28: {  	s2 =	sld [smem:$0x3FAE]  }
0x29: {  	s4 =	sld [smem:$0x3FB0]  }
0x2a: {  	p0 =	seq.s32 s5, $0x0;
	s5 =	sld [smem:$0x3FB1]  }
0x2b: {  	s6 =	sld [smem:$0x3FB2]  }
0x2c: {  	s7 =	sld [smem:$0x3FB3]  }
0x2d: {  	s3 =	simm.s32 $0x108;
	s8 =	sld [smem:$0x3FB4]  }
0x2e: {  	s3 =	simm.s32 @!p0 $0x1082;
	s9 =	sld [smem:$0x3FB5]  }
0x2f: {  	lr =	sadd.s32 s0, s3;
	s0 =	sld [smem:$0x3FAC]  }
0x30: {  	s3 =	sld [smem:$0x3FAF]  }
0x31: {  	[smem:$0x3FB8] =	sst s10  }
0x32: {  	s10 =	sld [smem:$0x3FB6];
	_ =	sdelay $0x3  }
0x33: {  	p0 =	seq.s32 s10, $0x1;
	s10 =	sld [smem:$0x3FB8];
	_ =	sdelay $0x3  }
0x34: {  	[smem:$0x3FB8] =	sst s10  }
0x35: {  	s10 =	sld [smem:$0x3FB7];
	_ =	sdelay $0x3  }
0x36: {  	p1 =	seq.s32 s10, $0x1;
	s10 =	sld [smem:$0x3FB8];
	_ =	sdelay $0x3  }
0x37: {  	[smem:$0x3FB8] =	sst s10  }
0x38: {  	s10 =	sld [smem:$0x3FB9]  }
0x39: {  	_ = 	snop;
	(pc) =	sbr.ind lr, $3  }
0x3a: {  	_ = 	snop  }
0x3b: {  	_ = 	snop  }
0x3c: {  	p2 =	seq.s32 s10, $0x1;
	s10 =	sld [smem:$0x3FB8]  }
0x3d: {  	_ =	shalt  }
0x3e: {  	_ =	shalt  }
0x3f: {  	_ =	shalt  }
0x40: {  	_ =	shalt  }
0x41: {  	_ =	shalt  }
0x42: {  	_ =	shalt  }
0x43: {  	_ =	shalt  }
0x44: {  	_ =	shalt  }
0x45: {  	_ =	shalt  }
0x46: {  	_ =	shalt  }
0x47: {  	_ =	shalt  }
0x48: {  	_ =	shalt  }
0x49: {  	_ =	shalt  }
0x4a: {  	_ =	shalt  }
0x4b: {  	_ =	shalt  }
0x4c: {  	_ =	shalt  }
0x4d: {  	_ =	shalt  }
0x4e: {  	_ =	shalt  }
0x4f: {  	_ =	shalt  }
0x50: {  	_ =	shalt  }
0x51: {  	_ =	shalt  }
0x52: {  	_ =	shalt  }
0x53: {  	_ =	shalt  }
0x54: {  	_ =	shalt  }
0x55: {  	_ =	shalt  }
0x56: {  	_ =	shalt  }
0x57: {  	_ =	shalt  }
0x58: {  	_ =	shalt  }
0x59: {  	_ =	shalt  }
0x5a: {  	_ =	shalt  }
0x5b: {  	_ =	shalt  }
0x5c: {  	_ =	shalt  }
0x5d: {  	_ =	shalt  }
0x5e: {  	_ =	shalt  }
0x5f: {  	_ =	shalt  }
0x60: {  	_ =	shalt  }
0x61: {  	_ =	shalt  }
0x62: {  	_ =	shalt  }
0x63: {  	_ =	shalt  }
0x64: {  	_ =	shalt  }
0x65: {  	_ =	shalt  }
0x66: {  	_ =	shalt  }
0x67: {  	_ =	shalt  }
0x68: {  	_ =	shalt  }
0x69: {  	_ =	shalt  }
0x6a: {  	_ =	shalt  }
0x6b: {  	_ =	shalt  }
0x6c: {  	_ =	shalt  }
0x6d: {  	_ =	shalt  }
0x6e: {  	_ =	shalt  }
0x6f: {  	_ =	shalt  }
0x70: {  	_ =	shalt  }
0x71: {  	_ =	shalt  }
0x72: {  	_ =	shalt  }
0x73: {  	_ =	shalt  }
0x74: {  	_ =	shalt  }
0x75: {  	_ =	shalt  }
0x76: {  	_ =	shalt  }
0x77: {  	_ =	shalt  }
0x78: {  	_ =	shalt  }
0x79: {  	_ =	shalt  }
0x7a: {  	_ =	shalt  }
0x7b: {  	_ =	shalt  }
0x7c: {  	_ =	shalt  }
0x7d: {  	_ =	shalt  }
0x7e: {  	_ =	shalt  }
0x7f: {  	_ =	shalt  }
0x80: {  	_ =	shalt  }
0x81: {  	_ =	shalt  }
0x82: {  	_ =	shalt  }
0x83: {  	_ =	shalt  }
0x84: {  	_ =	shalt  }
0x85: {  	_ =	shalt  }
0x86: {  	_ =	shalt  }
0x87: {  	_ =	shalt  }
.Lfunc_end0:
.L_simem_size_0:
called_computation.1_lowered:
.L_overlay_start_0:
0x88: {  	s2 =	sld [smem:$0x3FD9]  }
0x89: {  	s3 =	sld [smem:$0x3FFE];
	_ =	sdelay $0x1  }
0x8a: {  	s1 =	srdreg.scid  }
0x8b: {  	s0 =	sand.u32 $0x1, s1  }
0x8c: {  	s14 =	sshll.u32 s0, $0xA;
	s2 =	sadd.s32 s3, s2  }
0x8d: {  	s2 =	sadd.s32 s2, s14  }
0x8e: {  	[smem:$0x3FC4] =	sst s2  }
0x8f: {  	_ = 	snop  }
0x90: {  	s2 =	sld [smem:$0x3FD0];
	_ =	sdelay $0x2  }
0x91: {  	s4 =	simm.s32 $0xA;
	s5 =	simm.s32 $0x10;
	s15 =	sld [smem:$0x3FC9]  }
0x92: {  	[smem:s5], [sflag:s4] =	dma.local [hbm:s2], $0x1  }
0x93: {  	_ =	swait.eq [sflag:s4], $0x1  }
0x94: {  	[sflag:s4] =	ssyncset.done $0x0  }
0x95: {  	s16 =	sld [smem:$0x10];
	[sflag:s4] =	ssyncadd.s32 $0xFFFFFFFF  }
0x96: {  	s17 =	sld [smem:$0x11];
	(tm) =	ssettm $0x1  }
0x97: {  	s18 =	sld [smem:$0x3FFB];
	_ =	sdelay $0x3  }
0x98: {  	_ =	strace s18  }
0x99: {  	s5 =	sld [smem:$0x3FFC];
	_ =	sdelay $0x3  }
0x9a: {  	_ =	strace s5  }
0x9b: {  	s5 =	sld [smem:$0x3FFD];
	_ =	sdelay $0x3  }
0x9c: {  	_ =	strace s5  }
0x9d: {  	_ =	strace $0x8FFFFFFF  }
0x9e: {  	s19 =	sld [smem:$0x3FDB];
	_ =	sdelay $0x1  }
0x9f: {  	s6 =	simm.s32 $_scs_section_size  }
0xa0: {  	s7 =	simm.s32 $_size__tile_overlayer_lowered;
	s8 =	simm.s32 $_tile_overlayer_lowered  }
0xa1: {  	s22 =	simm.s32 $0x1BFF;
	s21 =	sshll.u32 s8, $0x1;
	s5 =	sadd.s32 s6, s19  }
0xa2: {  	s9 =	simm.s32 $0x0;
	s20 =	sshll.u32 s7, $0x1;
	s7 =	sadd.s32 s21, s5  }
0xa3: {  	[timem:s9], [sflag:s22] =	dma.local [hbm:s7], s20  }
0xa4: {  	_ =	swait.ge [sflag:s22], s20  }
0xa5: {  	s6 =	ssub.s32 $0x0, s20;
	[sflag:s22] =	ssyncset.done $0x0  }
0xa6: {  	[sflag:s22] =	ssyncadd.s32 s6;
	_ =	sdelay $0x1  }
0xa7: {  	s23 =	simm.s32 $0x1B8B  }
0xa8: {  	_ =	swait.ge [sflag:s23], $0x1  }
0xa9: {  	[sflag:s23] =	ssyncset.done $0x0  }
0xaa: {  	s25 =	simm.s32 $0x1B8E;
	s24 =	sld [smem:$0x3FFE];
	[sflag:s23] =	ssyncadd.s32 $0xFFFFFFFF  }
0xab: {  	s26 =	simm.s32 $execute0_lowered;
	[smem:$0x3FD2] =	sst s25  }
0xac: {  	s7 =	sshll.u32 s26, $0x1;
	_ =	strace $0x80000049;
	[dreg:$0x1] =	wrdreg $0xFFFFFFFF  }
0xad: {  	s28 =	simm.s32 $_size_execute0_lowered;
	s5 =	sadd.s32 s5, s7;
	[dreg:$0x0] =	wrdreg $0x0  }
0xae: {  	s7 =	sshll.u32 s28, $0x1;
	[dreg:$0x2] =	wrdreg s5  }
0xaf: {  	[dreg:$0x3] =	wrdreg s7  }
0xb0: {  	[dreg:$0x4] =	wrdreg $0xC0  }
0xb1: {  	_ =	task [dreg:s9], $0x5FFFF  }
0xb2: {  	[dreg:$0x1] =	wrdreg $0xFFFFFFFF  }
0xb3: {  	[dreg:$0x0] =	wrdreg $0x60  }
0xb4: {  	[dreg:$0x2] =	wrdreg s15  }
0xb5: {  	[dreg:$0x3] =	wrdreg s24  }
0xb6: {  	[dreg:$0x4] =	wrdreg s16  }
0xb7: {  	[dreg:$0x5] =	wrdreg s17  }
0xb8: {  	[dreg:$0x6] =	wrdreg $0x9  }
0xb9: {  	_ =	task.clear_ibuf [dreg:s9], $0x7FFFF;
	_ =	strace $0x90000049  }
0xba: {  	s29 =	simm.s32 $0x9;
	_ =	strace $0x8000004B  }
0xbb: {  	_ =	swait.ge [sflag:s29], $0x1  }
0xbc: {  	[sflag:s29] =	ssyncadd.s32 $0xFFFFFFFF  }
0xbd: {  	_ =	strace $0x9000004B  }
0xbe: {  	_ =	sfence  }
0xbf: {  	s30 =	sld [smem:$0x0];
	_ =	sdelay $0x2  }
0xc0: {  	s31 =	sshll.u32 s1, $0xD;
	s1 =	sshrl.u32 s1, $0x2  }
0xc1: {  	s3 =	sand.u32 $0x4000, s31;
	s1 =	sadd.s32 s1, s30  }
0xc2: {  	s0 =	sor.u32 s3, s0;
	s1 =	sshll.u32 s1, $0x11  }
0xc3: {  	s0 =	sor.u32 s1, s0  }
0xc4: {  	s0 =	sadd.s32 $0x8F2B, s0  }
0xc5: {  	[sflag:s0] =	ssyncadd.remote.s32 $0x1  }
0xc6: {  	_ =	sfence.sel $0xFFFF  }
0xc7: {  	[dreg:$0x0] =	wrdreg $0xFFFFFFFF;
	(pc) =	sbr.abs _section_cstart, $3  }
0xc8: {  	[dreg:$0x1] =	wrdreg $0xFFFFFFFF  }
0xc9: {  	_ =	task.clear_ibuf [dreg:s9], $0x2FFFF;
	_ =	strace $0x9FFFFFFF  }
0xca: {  	(tm) =	ssettm $0x7FFFFFFF  }
0xcb: {  	_ =	shalt  }
tec
execute0_lowered:
.L_overlay_start_1:
0x0: {  	(tag) =	ssettag $0x1  }
0x1: {  	s0 =	rddreg [dreg:$0x0]  }
0x2: {  	s2 =	rddreg [dreg:$0x1]  }
0x3: {  	s1 =	rddreg [dreg:$0x2]  }
0x4: {  	v0 =	vimm.s32 $0xFEDCBA98;
	s3 =	rddreg [dreg:$0x3];
	s4 =	simm.s32 $0x0;
	v1 =	vimm.s32 $0x76543210;
	v2 =	vimm.s32 $0xBA98FEDC  }
0x5: {  	s5 =	srdreg.scid;
	s6 =	stileid.u32;
	v3 =	vimm.s32 $0x32107654;
	v4 =	vimm.s32 $0xDCFE98BA;
	v5 =	vimm.s32 $0x54761032;
	s16 =	simm.s32 $0x3  }
0x6: {  	v6 =	vimm.s32 $0xEFCDAB89;
	v7 =	vimm.s32 $0x67452301;
	s17 =	simm.s32 $0x2780;
	s19 =	simm.s32 $0x5100;
	s22 =	simm.s32 $0x1  }
0x7: {  	s23 =	simm.s32 $0x2;
	s24 =	simm.s32 $0x0;
	v0 =	vunpack.c.l.s4.s8 v0;
	[smem:$0x7FF] =	sst s4;
	v1 =	vunpack.c.l.s4.s8 v1;
	v2 =	vunpack.c.l.s4.s8 v2  }
0x8: {  	s5 =	sand.u32 $0x1, s5;
	s6 =	sshll.u32 s6, $0x1;
	v3 =	vunpack.c.l.s4.s8 v3;
	v4 =	vunpack.c.l.s4.s8 v4;
	s8 =	sadd.s32 $0x1000, s2;
	v5 =	vunpack.c.l.s4.s8 v5  }
0x9: {  	s25 =	sadd.s32 $0x1600, s2;
	v6 =	vunpack.c.l.s4.s8 v6;
	v7 =	vunpack.c.l.s4.s8 v7;
	s7 =	sor.u32 s5, s6;
	_ =	strace $0x8000004A;
	v0 =	vunpack.c.0.s8.s32 v0  }
0xa: {  	s5 =	ssub.s32 $0x2, s5;
	[dreg:$0x5] =	wrdreg s8;
	s7 =	smul.u32 $0x30D40, s7;
	v2 =	vunpack.c.0.s8.s32 v2;
	v3 =	vunpack.c.0.s8.s32 v3;
	v4 =	vunpack.c.0.s8.s32 v4  }
0xb: {  	s6 =	sadd.s32 $0x1C00, s2;
	[dreg:$0x6] =	wrdreg s25;
	s26 =	sshrl.u32 s5, $0x1;
	v5 =	vunpack.c.0.s8.s32 v5;
	v6 =	vunpack.c.0.s8.s32 v6;
	v7 =	vunpack.c.0.s8.s32 v7  }
0xc: {  	s2 =	sadd.s32 $0xE00, s2;
	v1 =	vunpack.c.0.s8.s32 v1;
	s28 =	ssub.s32 s5, s26;
	s29 =	sshrl.u32 s7, $0x3;
	v2 =	vcombine.low v3, v2  }
0xd: {  	[dreg:$0x7] =	wrdreg s2;
	s15 =	smax.u32 s28, $0x1;
	v3 =	vcombine.low v5, v4;
	v4 =	vcombine.low v7, v6;
	v0 =	vand.u32 $0xF, v0;
	s30 =	sadd.s32 s0, s29  }
0xe: {  	s31 =	sadd.s32 s6, s29;
	s5 =	sadd.s32 $0x3E8, s29;
	v0 =	vcombine.low v0, v1;
	[dreg:$0x8] =	wrdreg s30  }
0xf: {  	[dreg:$0x9] =	wrdreg s31;
	s13 =	sadd.s32 s0, s5;
	s14 =	sadd.s32 s6, s5;
	v1 =	vand.u32 $0xF, v2;
	v2 =	vand.u32 $0xF, v3;
	v3 =	vand.u32 $0xF, v4  }
.LBB2_1:
0x10: {  	s2 =	rddreg [dreg:$0x5]  }
0x11: {  	[tilespmem:s4], [sflag:$0x3] =	stream.linear.gather [hbm4b:s2+s4], $0x2780, $0x38;
	[tilespmem:$0x1C980] =	vst v63  }
0x12: {  	_ =	swait.ge [sflag:s16], $0x2780  }
0x13: {  	[sflag:s16] =	ssyncset.done $0x0  }
0x14: {  	s21 =	rddreg [dreg:$0x6];
	[sflag:s16] =	ssyncadd.s32 $0xFFFFD880  }
0x15: {  	[tilespmem:s17], [sflag:$0x3] =	stream.linear.gather [hbm4b:s21+s4], $0x2780, $0x38;
	[tilespmem:$0x1C980] =	vst v63  }
0x16: {  	_ =	swait.ge [sflag:s16], $0x2780  }
0x17: {  	[sflag:s16] =	ssyncset.done $0x0  }
0x18: {  	s5 =	simm.s32 $0x4F00;
	s25 =	rddreg [dreg:$0x7];
	[sflag:s16] =	ssyncadd.s32 $0xFFFFD880  }
0x19: {  	[tilespmem:s5], [sflag:$0x3] =	stream.linear.gather [hbm4b:s25+s4], $0x200, $0x38;
	[tilespmem:$0x1C980] =	vst v63  }
0x1a: {  	_ =	swait.ge [sflag:s16], $0x200  }
0x1b: {  	[sflag:s16] =	ssyncset.done $0x0  }
0x1c: {  	[sflag:s16] =	ssyncadd.s32 $0xFFFFFE00  }
0x1d: {  	v4 =	vld [tilespmem:$0x4F00];
	_ =	sdelay $0x1  }
0x1e: {  	v5 =	vld [tilespmem:$0x4F10];
	_ =	sdelay $0x1  }
0x1f: {  	v6 =	vld [tilespmem:$0x4F20]  }
0x20: {  	v4 =	vadd.f32 $0.0e+00, v4  }
0x21: {  	v7 =	vld [tilespmem:$0x4F30]  }
0x22: {  	v4 =	vadd.f32 v5, v4  }
0x23: {  	v5 =	vld [tilespmem:$0x4F40]  }
0x24: {  	v4 =	vadd.f32 v6, v4  }
0x25: {  	v6 =	vld [tilespmem:$0x4F50]  }
0x26: {  	v4 =	vadd.f32 v7, v4  }
0x27: {  	v7 =	vld [tilespmem:$0x4F60]  }
0x28: {  	v4 =	vadd.f32 v5, v4  }
0x29: {  	v5 =	vld [tilespmem:$0x4F70]  }
0x2a: {  	v4 =	vadd.f32 v6, v4  }
0x2b: {  	v6 =	vld [tilespmem:$0x4F80]  }
0x2c: {  	v4 =	vadd.f32 v7, v4  }
0x2d: {  	v7 =	vld [tilespmem:$0x4F90]  }
0x2e: {  	v4 =	vadd.f32 v5, v4  }
0x2f: {  	v5 =	vld [tilespmem:$0x4FA0]  }
0x30: {  	v4 =	vadd.f32 v6, v4  }
0x31: {  	v6 =	vld [tilespmem:$0x4FB0]  }
0x32: {  	v4 =	vadd.f32 v7, v4  }
0x33: {  	v7 =	vld [tilespmem:$0x4FC0]  }
0x34: {  	v4 =	vadd.f32 v5, v4  }
0x35: {  	v5 =	vld [tilespmem:$0x4FD0]  }
0x36: {  	v4 =	vadd.f32 v6, v4  }
0x37: {  	v6 =	vld [tilespmem:$0x4FE0]  }
0x38: {  	v4 =	vadd.f32 v7, v4  }
0x39: {  	v7 =	vld [tilespmem:$0x4FF0]  }
0x3a: {  	v4 =	vadd.f32 v5, v4  }
0x3b: {  	v5 =	vld [tilespmem:$0x5000]  }
0x3c: {  	v4 =	vadd.f32 v6, v4  }
0x3d: {  	v6 =	vld [tilespmem:$0x5010]  }
0x3e: {  	v4 =	vadd.f32 v7, v4  }
0x3f: {  	v7 =	vld [tilespmem:$0x5020]  }
0x40: {  	v4 =	vadd.f32 v5, v4  }
0x41: {  	v5 =	vld [tilespmem:$0x5030]  }
0x42: {  	v4 =	vadd.f32 v6, v4  }
0x43: {  	v6 =	vld [tilespmem:$0x5040]  }
0x44: {  	v4 =	vadd.f32 v7, v4  }
0x45: {  	v7 =	vld [tilespmem:$0x5050]  }
0x46: {  	v4 =	vadd.f32 v5, v4  }
0x47: {  	v5 =	vld [tilespmem:$0x5060]  }
0x48: {  	v4 =	vadd.f32 v6, v4  }
0x49: {  	v6 =	vld [tilespmem:$0x5070]  }
0x4a: {  	v4 =	vadd.f32 v7, v4  }
0x4b: {  	v7 =	vld [tilespmem:$0x5080]  }
0x4c: {  	v4 =	vadd.f32 v5, v4  }
0x4d: {  	v5 =	vld [tilespmem:$0x5090]  }
0x4e: {  	v4 =	vadd.f32 v6, v4  }
0x4f: {  	v6 =	vld [tilespmem:$0x50A0]  }
0x50: {  	v4 =	vadd.f32 v7, v4  }
0x51: {  	v7 =	vld [tilespmem:$0x50B0]  }
0x52: {  	v4 =	vadd.f32 v5, v4  }
0x53: {  	v5 =	vld [tilespmem:$0x50C0]  }
0x54: {  	v4 =	vadd.f32 v6, v4  }
0x55: {  	v6 =	vld [tilespmem:$0x50D0]  }
0x56: {  	v4 =	vadd.f32 v7, v4  }
0x57: {  	v7 =	vld [tilespmem:$0x50E0]  }
0x58: {  	v4 =	vadd.f32 v5, v4  }
0x59: {  	v5 =	vld [tilespmem:$0x50F0]  }
0x5a: {  	v4 =	vadd.f32 v6, v4;
	_ =	sdelay $0x1  }
0x5b: {  	v4 =	vadd.f32 v7, v4;
	_ =	sdelay $0x1  }
0x5c: {  	v4 =	vadd.f32 v5, v4;
	_ =	sdelay $0x1  }
0x5d: {  	[tilespmem:$0x5100] =	vst v4  }
0x5e: {  	v5 =	vld.idx.msk [tilespmem:v0+s19+$0x0], $0xffff;
	_ =	sdelay $0x4  }
0x5f: {  	v4 =	vadd.f32 v5, v4;
	_ =	sdelay $0x1  }
0x60: {  	[tilespmem:$0x5100] =	vst v4  }
0x61: {  	v5 =	vld.idx.msk [tilespmem:v1+s19+$0x0], $0xffff;
	_ =	sdelay $0x4  }
0x62: {  	v4 =	vadd.f32 v5, v4;
	_ =	sdelay $0x1  }
0x63: {  	[tilespmem:$0x5100] =	vst v4  }
0x64: {  	v5 =	vld.idx.msk [tilespmem:v2+s19+$0x0], $0xffff;
	_ =	sdelay $0x4  }
0x65: {  	v4 =	vadd.f32 v5, v4;
	_ =	sdelay $0x1  }
0x66: {  	[tilespmem:$0x5100] =	vst v4  }
0x67: {  	v5 =	vld.idx.msk [tilespmem:v3+s19+$0x0], $0xffff;
	_ =	sdelay $0x4  }
0x68: {  	v4 =	vadd.f32 v5, v4;
	_ =	sdelay $0x1  }
0x69: {  	(erf) = vrcp.f32 v4;
	_ =	sdelay $0x5  }
0x6a: {  	s25 =	simm.s32 $0x5180;
	s26 =	rddreg [dreg:$0x8]  }
0x6b: {  	[tilespmem:s25], [sflag:$0x1] =	stream.linear.gather [hbm4b:s26+s4], $0x1F40, $0x38;
	[tilespmem:$0x1C980] =	vst v63  }
0x6c: {  	s28 =	rddreg [dreg:$0x9];
	s26 =	simm.s32 $0xAF80  }
0x6d: {  	[tilespmem:s26], [sflag:$0x1] =	stream.linear.gather [hbm4b:s28+s4], $0x1F40, $0x38;
	v5 =	vpop (erf);
	[tilespmem:$0x1C980] =	vst v63  }
0x6e: {  	s29 =	simm.s32 $0x70C0;
	s31 =	simm.s32 $0xCEC0;
	v4 =	vmul.f32 v5, v5  }
0x6f: {  	[tilespmem:s29], [sflag:$0x1] =	stream.linear.gather [hbm4b:s13+s4], $0x1F40, $0x38;
	[tilespmem:$0x1C980] =	vst v63  }
0x70: {  	s20 =	simm.s32 $0x16B80;
	s30 =	simm.s32 $0x0;
	s21 =	simm.s32 $0x10D80;
	v4 =	vmul.f32 v4, v5;
	v5 =	vmul.f32 $2.400000000e+01, v5  }
0x71: {  	[tilespmem:s31], [sflag:$0x1] =	stream.linear.gather [hbm4b:s14+s4], $0x1F40, $0x38;
	[tilespmem:$0x1C980] =	vst v63  }
.LBB2_2:
0x72: {  	p0 =	sgt.u32 s30, $0x16  }
0x73: {  	s2 =	sadd.s32 @!p0 $0x2, s30  }
0x74: {  	s5 =	smul.u32 @!p0 $0xAB, s2;
	_ =	sdelay $0x1  }
0x75: {  	s5 =	sshrl.u32 @!p0 s5, $0x9  }
0x76: {  	s5 =	sand.u32 @!p0 $0x7F, s5  }
0x77: {  	s5 =	smul.u32 @!p0 $0x3, s5  }
0x78: {  	_ =	swait.ge [sflag:s22], $0x1F40  }
0x79: {  	[sflag:s22] =	ssyncset.done $0x0;
	s5 =	ssub.s32 @!p0 s2, s5;
	s2 =	smul.u32 @!p0 $0x1F40, s2  }
0x7a: {  	[sflag:s22] =	ssyncadd.s32 $0xFFFFE0C0;
	s5 =	sand.u32 @!p0 $0xFF, s5  }
0x7b: {  	_ =	swait.ge [sflag:s22], $0x1F40;
	s5 =	smul.u32 @!p0 $0x1F40, s5;
	s2 =	sadd.s32 @!p0 s7, s2  }
0x7c: {  	s10 =	simm.s32 @!p0 $0x0;
	[sflag:s22] =	ssyncset.done $0x0;
	s2 =	sshrl.u32 @!p0 s2, $0x3  }
0x7d: {  	[sflag:s22] =	ssyncadd.s32 $0xFFFFE0C0;
	s8 =	sadd.s32 @!p0 $0x5180, s5;
	s9 =	sadd.s32 @!p0 s0, s2  }
0x7e: {  	[tilespmem:s8], [sflag:$0x1] =	stream.linear.gather @!p0 [hbm4b:s9+s10], $0x1F40, $0x38;
	[tilespmem:$0x1C980] =	vst v63  }
0x7f: {  	s5 =	sadd.s32 @!p0 $0xAF80, s5;
	s2 =	sadd.s32 @!p0 s6, s2  }
0x80: {  	[tilespmem:s5], [sflag:$0x1] =	stream.linear.gather @!p0 [hbm4b:s2+s10], $0x1F40, $0x38;
	[tilespmem:$0x1C980] =	vst v63  }
0x81: {  	s10 =	smulhi.u32 $0xAAAAAAAB, s30;
	_ =	sdelay $0x1  }
0x82: {  	s2 =	sshrl.u32 s10, $0x1  }
0x83: {  	p1 =	slt.u32 @!p0 s30, $0x3;
	s2 =	smul.u32 $0xFFFE8900, s2  }
0x84: {  	p0 =	por p0, !p1  }
0x85: {  	_ =	swait.ge @p0 [sflag:s23], $0x1F40;
	s2 =	sshra.s32 s2, $0x2  }
0x86: {  	[sflag:s23] =	ssyncset.done @p0 $0x0;
	v6 =	vmov s2  }
0x87: {  	[sflag:s23] =	ssyncadd.s32 @p0 $0xFFFFE0C0  }
0x88: {  	_ =	swait.ge @p0 [sflag:s23], $0x1F40  }
0x89: {  	[sflag:s23] =	ssyncset.done @p0 $0x0  }
0x8a: {  	[sflag:s23] =	ssyncadd.s32 @p0 $0xFFFFE0C0  }
0x8b: {  	v7 =	vld.idx.msk [tilespmem:v6+s25+$0x0 ss:$0x1], $0xffff  }
0x8c: {  	v8 =	vld.idx.msk [tilespmem:v6+s26+$0x0 ss:$0x1], $0xffff  }
0x8d: {  	v9 =	vld.idx.msk [tilespmem:v6+s26+$0x10 ss:$0x1], $0xffff  }
0x8e: {  	v10 =	vld.idx.msk [tilespmem:v6+s25+$0x40 ss:$0x1], $0xffff  }
0x8f: {  	v12 =	vld.idx.msk [tilespmem:v6+s26+$0x30 ss:$0x1], $0xffff  }
0x90: {  	v14 =	vld.idx.msk [tilespmem:v6+s26+$0x40 ss:$0x1], $0xffff  }
0x91: {  	v11 =	vld.idx.msk [tilespmem:v6+s25+$0x30 ss:$0x1], $0xffff  }
0x92: {  	v13 =	vld.idx.msk [tilespmem:v6+s25+$0x10 ss:$0x1], $0xffff  }
0x93: {  	v15 =	vld.idx.msk [tilespmem:v6+s25+$0x20 ss:$0x1], $0xffff  }
0x94: {  	v16 =	vld.idx.msk [tilespmem:v8+s4+$0x0], $0xffff  }
0x95: {  	v17 =	vld.idx.msk [tilespmem:v9+s4+$0x0], $0xffff  }
0x96: {  	(erf) = vrcp.f32 v7;
	v9 =	vld.idx.msk [tilespmem:v9+s17+$0x0], $0xffff  }
0x97: {  	v19 =	vld.idx.msk [tilespmem:v12+s17+$0x0], $0xffff  }
0x98: {  	(erf) = vrcp.f32 v10;
	v26 =	vld.idx.msk [tilespmem:v14+s4+$0x0], $0xffff  }
0x99: {  	(erf) = vrcp.f32 v11;
	v8 =	vld.idx.msk [tilespmem:v8+s17+$0x0], $0xffff  }
0x9a: {  	v18 =	vld.idx.msk [tilespmem:v6+s26+$0x20 ss:$0x1], $0xffff;
	(erf) = vrcp.f32 v13  }
0x9b: {  	(erf) = vrcp.f32 v15;
	v20 =	vmul.f32 v16, v16  }
0x9c: {  	v21 =	vmul.f32 v17, v17;
	v24 =	vmul.f32 $4.000000000e+00, v9  }
0x9d: {  	v23 =	vld.idx.msk [tilespmem:v14+s17+$0x0], $0xffff;
	v29 =	vmul.f32 $4.000000000e+00, v19;
	v30 =	vmul.f32 v26, v26  }
0x9e: {  	v12 =	vld.idx.msk [tilespmem:v12+s4+$0x0], $0xffff;
	v31 =	vmul.f32 v13, v9;
	v7 =	vmul.f32 v7, v8  }
0x9f: {  	v8 =	vmul.f32 $4.000000000e+00, v8;
	v14 =	vpop (erf);
	v22 =	vmul.f32 v20, v20  }
0xa0: {  	v16 =	vmul.f32 v14, v16;
	v27 =	vmul.f32 v21, v21  }
0xa1: {  	v28 =	vpop (erf);
	v14 =	vmul.f32 v11, v19;
	v20 =	vmul.f32 v22, v20  }
0xa2: {  	v19 =	vld.idx.msk [tilespmem:v18+s4+$0x0], $0xffff;
	v25 =	vpop (erf);
	v22 =	vmul.f32 $4.000000000e+00, v23;
	v16 =	vmul.f32 v16, v16  }
0xa3: {  	v18 =	vld.idx.msk [tilespmem:v18+s17+$0x0], $0xffff;
	v11 =	vpop (erf);
	v9 =	vmul.f32 v25, v12;
	v23 =	vmul.f32 v10, v23  }
0xa4: {  	v12 =	vmul.f32 v12, v12;
	v11 =	vmul.f32 v11, v17  }
0xa5: {  	v17 =	vmul.f32 v20, v4;
	v20 =	vmul.f32 v30, v30  }
0xa6: {  	v13 =	vpop (erf);
	v34 =	vmul.f32 v16, v16;
	v9 =	vmul.f32 v9, v9  }
0xa7: {  	v11 =	vmul.f32 v11, v11;
	v13 =	vmul.f32 v13, v19  }
0xa8: {  	v32 =	vmul.f32 $4.000000000e+00, v18;
	v25 =	vmul.f32 v15, v18  }
0xa9: {  	v19 =	vmul.f32 v19, v19;
	v33 =	vmul.f32 v17, v17  }
0xaa: {  	v10 =	vmul.f32 v34, v16;
	v16 =	vmul.f32 v28, v26  }
0xab: {  	v18 =	vmul.f32 v20, v30;
	v20 =	vmul.f32 v27, v21  }
0xac: {  	v21 =	vmul.f32 v9, v9;
	v30 =	vmul.f32 v12, v12  }
0xad: {  	s11 =	sadd.s32 $0x50, s26;
	v13 =	vmul.f32 v13, v13;
	v37 =	vmul.f32 v11, v11  }
0xae: {  	s8 =	sadd.s32 $0x50, s25;
	v60 =	vld.idx.msk [tilespmem:v6+s11+$0x40 ss:$0x1], $0xffff;
	v58 =	vmul.f32 v19, v19;
	v27 =	vmul.f32 v10, v10  }
0xaf: {  	v28 =	vld.idx.msk [tilespmem:v6+s8+$0x0 ss:$0x1], $0xffff;
	v16 =	vmul.f32 v16, v16;
	v9 =	vmul.f32 v21, v9  }
0xb0: {  	v26 =	vld.idx.msk [tilespmem:v6+s11+$0x0 ss:$0x1], $0xffff;
	v42 =	vmul.f32 v18, v4;
	v44 =	vmul.f32 v20, v4  }
0xb1: {  	v34 =	vld.idx.msk [tilespmem:v6+s8+$0x40 ss:$0x1], $0xffff;
	v15 =	vmul.f32 v13, v13;
	v11 =	vmul.f32 v37, v11  }
0xb2: {  	v33 =	vadd.f32 v33, v33;
	v19 =	vmul.f32 v58, v19;
	v59 =	vmul.f32 v16, v16  }
0xb3: {  	v36 =	vld.idx.msk [tilespmem:v6+s8+$0x30 ss:$0x1], $0xffff;
	v40 =	vmul.f32 v9, v9;
	v47 =	vmul.f32 v44, v44  }
0xb4: {  	v21 =	vld.idx.msk [tilespmem:v6+s11+$0x30 ss:$0x1], $0xffff;
	v17 =	vsub.f32 v33, v17;
	v13 =	vmul.f32 v15, v13;
	(erf) = vrcp.f32 v28  }
0xb5: {  	v38 =	vld.idx.msk [tilespmem:v6+s8+$0x10 ss:$0x1], $0xffff;
	v62 =	vmul.f32 v11, v11;
	v48 =	vmul.f32 v19, v4  }
0xb6: {  	v61 =	vld.idx.msk [tilespmem:v6+s8+$0x20 ss:$0x1], $0xffff;
	v10 =	vsub.f32 v27, v10;
	(erf) = vrcp.f32 v34;
	v7 =	vmul.f32 v17, v7  }
0xb7: {  	v15 =	vld.idx.msk [tilespmem:v6+s11+$0x10 ss:$0x1], $0xffff;
	v37 =	vmul.f32 v59, v16;
	v16 =	vmul.f32 v42, v42  }
0xb8: {  	v27 =	vld.idx.msk [tilespmem:v60+s17+$0x0], $0xffff;
	v63 =	vmul.f32 v10, v8;
	v35 =	vmul.f32 v13, v13  }
0xb9: {  	(erf) = vrcp.f32 v36;
	v57 =	vmul.f32 v48, v48;
	v39 =	vld.idx.msk [tilespmem:v26+s4+$0x0], $0xffff  }
0xba: {  	v9 =	vsub.f32 v40, v9;
	(erf) = vrcp.f32 v38;
	v41 =	vmul.f32 v7, v5  }
0xbb: {  	v45 =	vld.idx.msk [tilespmem:v6+s11+$0x20 ss:$0x1], $0xffff;
	v7 =	vmul.f32 v30, v12;
	v53 =	vmul.f32 v37, v37  }
0xbc: {  	v16 =	vadd.f32 v16, v16;
	v29 =	vmul.f32 v9, v29;
	v13 =	vsub.f32 v35, v13;
	v30 =	vld.idx.msk [tilespmem:v21+s17+$0x0], $0xffff  }
0xbd: {  	v40 =	vld.idx.msk [tilespmem:v60+s4+$0x0], $0xffff;
	(erf) = vrcp.f32 v61;
	v8 =	vmul.f32 $4.000000000e+00, v27;
	v37 =	vsub.f32 v53, v37  }
0xbe: {  	v46 =	vmul.f32 v7, v4;
	v42 =	vsub.f32 v16, v42;
	v16 =	vld.idx.msk [tilespmem:v21+s4+$0x0], $0xffff;
	v43 =	vmul.f32 v39, v39  }
0xbf: {  	v13 =	vmul.f32 v13, v32;
	v22 =	vmul.f32 v37, v22;
	v17 =	vld.idx.msk [tilespmem:v15+s4+$0x0], $0xffff;
	v7 =	vpop (erf)  }
0xc0: {  	v12 =	vld.idx.msk [tilespmem:v15+s17+$0x0], $0xffff;
	v20 =	vmul.f32 v43, v43;
	v39 =	vmul.f32 v7, v39  }
0xc1: {  	v10 =	vmul.f32 $4.000000000e+00, v30;
	v9 =	vmul.f32 v36, v30  }
0xc2: {  	v49 =	vpop (erf);
	v30 =	vld.idx.msk [tilespmem:v26+s17+$0x0], $0xffff;
	v26 =	vmul.f32 v40, v40;
	v43 =	vmul.f32 v20, v43  }
0xc3: {  	v21 =	vpop (erf);
	v52 =	vmul.f32 v39, v39;
	v20 =	vmul.f32 v42, v23  }
0xc4: {  	[tilespmem:v6+s21+$0x30 ss:$0x1] =	vst.idx.msk $0xffff, v29;
	v56 =	vmul.f32 v21, v16;
	v29 =	vmul.f32 v26, v26  }
0xc5: {  	v54 =	vld.idx.msk [tilespmem:v45+s17+$0x0], $0xffff;
	v23 =	vpop (erf);
	v15 =	vmul.f32 v17, v17;
	v7 =	vmul.f32 $4.000000000e+00, v12  }
0xc6: {  	v19 =	vld.idx.msk [tilespmem:v45+s4+$0x0], $0xffff;
	v35 =	vsub.f32 v62, v11;
	v23 =	vmul.f32 v23, v17;
	v11 =	vmul.f32 v38, v12  }
0xc7: {  	v12 =	vmul.f32 v46, v46;
	v20 =	vmul.f32 v20, v5  }
0xc8: {  	v55 =	vadd.f32 v47, v47;
	v58 =	vmul.f32 v43, v4;
	v18 =	vmul.f32 v15, v15  }
0xc9: {  	s12 =	smul.u32 $0xAB, s30;
	v17 =	vmul.f32 v28, v30;
	v21 =	vmul.f32 v23, v23  }
0xca: {  	[tilespmem:v6+s21+$0x20 ss:$0x1] =	vst.idx.msk $0xffff, v13;
	v50 =	vpop (erf);
	v12 =	vadd.f32 v12, v12;
	v13 =	vmul.f32 $4.000000000e+00, v30;
	v30 =	vsub.f32 v55, v44  }
0xcb: {  	s2 =	sshrl.u32 s12, $0x9;
	[tilespmem:v6+s21+$0x0 ss:$0x1] =	vst.idx.msk $0xffff, v63;
	v59 =	vadd.f32 v57, v57;
	v28 =	vmul.f32 v50, v19;
	v23 =	vmul.f32 $4.000000000e+00, v54  }
0xcc: {  	s18 =	smul.u32 $0x1F40, s30;
	s2 =	sand.u32 $0x7F, s2;
	v60 =	vmul.f32 v58, v58;
	v30 =	vmul.f32 v30, v31;
	v31 =	vsub.f32 v12, v46  }
0xcd: {  	s2 =	smul.u32 $0x3, s2;
	[tilespmem:v6+s20+$0x0 ss:$0x1] =	vst.idx.msk $0xffff, v41;
	v12 =	vmul.f32 v61, v54;
	v61 =	vmul.f32 v52, v52  }
0xce: {  	s29 =	smov.u32 s21;
	[tilespmem:v6+s21+$0x40 ss:$0x1] =	vst.idx.msk $0xffff, v22;
	v32 =	vmul.f32 v28, v28;
	v62 =	vmul.f32 v31, v14  }
0xcf: {  	s5 =	sadd.s32 s7, s18;
	s18 =	sadd.s32 $0x50, s21;
	s2 =	ssub.s32 s30, s2;
	v41 =	vadd.f32 v60, v60;
	v14 =	vmul.f32 v34, v27;
	v31 =	vmul.f32 v35, v24  }
0xd0: {  	s28 =	smov.u32 s20;
	s9 =	smov.u32 s18;
	s2 =	sand.u32 $0xFF, s2;
	v24 =	vsub.f32 v59, v48;
	v28 =	vmul.f32 v61, v52;
	v63 =	vmul.f32 v62, v5  }
0xd1: {  	s10 =	simm.s32 $0x50;
	s31 =	smul.u32 $0x1F40, s2;
	s2 =	sadd.s32 $0x50, s20;
	v33 =	vmul.f32 v32, v32;
	v35 =	vmul.f32 v49, v40;
	v27 =	vsub.f32 v41, v58  }
0xd2: {  	s12 =	sadd.s32 $0x50, s8;
	s8 =	smov.u32 s2;
	s11 =	sadd.s32 $0x50, s11;
	v34 =	vmul.f32 v24, v25;
	v25 =	vmul.f32 v56, v56;
	[tilespmem:v6+s20+$0x30 ss:$0x1] =	vst.idx.msk $0xffff, v63  }
.LBB2_3:
0xd3: {  	v24 =	vld.idx.msk [tilespmem:v6+s12+$0x0 ss:$0x1], $0xffff;
	s10 =	sadd.s32 $0x50, s10;
	v26 =	vmul.f32 v29, v26;
	s2 =	sadd.s32 $0x50, s2;
	s18 =	sadd.s32 $0x50, s18;
	v29 =	vmul.f32 v30, v5;
	[tilespmem:v6+s29+$0x10 ss:$0x1] =	vst.idx.msk $0xffff, v31  }
0xd4: {  	v15 =	vmul.f32 v18, v15;
	s29 =	smov.u32 s9;
	v22 =	vld.idx.msk [tilespmem:v6+s12+$0x40 ss:$0x1], $0xffff;
	p0 =	slt.u32 s10, $0x1EF0;
	v18 =	vmul.f32 v25, v25;
	s9 =	smov.u32 s18  }
0xd5: {  	v31 =	vmul.f32 v28, v28;
	v16 =	vmul.f32 v16, v16;
	v30 =	vld.idx.msk [tilespmem:v6+s11+$0x0 ss:$0x1], $0xffff;
	[tilespmem:v6+s28+$0x10 ss:$0x1] =	vst.idx.msk $0xffff, v29  }
0xd6: {  	v32 =	vmul.f32 v33, v32;
	v33 =	vmul.f32 v34, v5;
	v29 =	vld.idx.msk [tilespmem:v6+s11+$0x10 ss:$0x1], $0xffff  }
0xd7: {  	v35 =	vmul.f32 v35, v35;
	v36 =	vmul.f32 v16, v16;
	v34 =	vld.idx.msk [tilespmem:v6+s12+$0x10 ss:$0x1], $0xffff;
	[tilespmem:v6+s28+$0x40 ss:$0x1] =	vst.idx.msk $0xffff, v20  }
0xd8: {  	v19 =	vmul.f32 v19, v19;
	v37 =	vmul.f32 v32, v32;
	v20 =	vld.idx.msk [tilespmem:v6+s12+$0x30 ss:$0x1], $0xffff;
	[tilespmem:v6+s28+$0x20 ss:$0x1] =	vst.idx.msk $0xffff, v33;
	s28 =	smov.u32 s8;
	s8 =	smov.u32 s2  }
0xd9: {  	v28 =	vsub.f32 v31, v28;
	v31 =	vmul.f32 v21, v21;
	v33 =	vld.idx.msk [tilespmem:v6+s11+$0x40 ss:$0x1], $0xffff;
	(erf) = vrcp.f32 v24  }
0xda: {  	v18 =	vmul.f32 v18, v25;
	v32 =	vsub.f32 v37, v32;
	v37 =	vmul.f32 v19, v19;
	v38 =	vld.idx.msk [tilespmem:v6+s11+$0x30 ss:$0x1], $0xffff  }
0xdb: {  	v21 =	vmul.f32 v31, v21;
	v31 =	vmul.f32 v35, v35;
	v25 =	vld.idx.msk [tilespmem:v6+s12+$0x20 ss:$0x1], $0xffff  }
0xdc: {  	v23 =	vmul.f32 v32, v23;
	v19 =	vmul.f32 v37, v19;
	v39 =	vld.idx.msk [tilespmem:v6+s11+$0x20 ss:$0x1], $0xffff  }
0xdd: {  	v37 =	vmul.f32 v21, v21;
	v32 =	vld.idx.msk [tilespmem:v30+s4+$0x0], $0xffff;
	(erf) = vrcp.f32 v22  }
0xde: {  	v17 =	vmul.f32 v27, v17;
	v40 =	vld.idx.msk [tilespmem:v29+s4+$0x0], $0xffff;
	(erf) = vrcp.f32 v20  }
0xdf: {  	v37 =	vsub.f32 v37, v21;
	v21 =	vmul.f32 v18, v18;
	v27 =	vld.idx.msk [tilespmem:v30+s17+$0x0], $0xffff;
	(erf) = vrcp.f32 v34  }
0xe0: {  	v17 =	vmul.f32 v17, v5;
	v26 =	vmul.f32 v26, v4;
	v29 =	vld.idx.msk [tilespmem:v29+s17+$0x0], $0xffff  }
0xe1: {  	v31 =	vmul.f32 v31, v35;
	v41 =	vld.idx.msk [tilespmem:v33+s4+$0x0], $0xffff;
	[tilespmem:v6+s29+$0x20 ss:$0x1] =	vst.idx.msk $0xffff, v23;
	v23 =	vmul.f32 v36, v16  }
0xe2: {  	v21 =	vsub.f32 v21, v18;
	v18 =	vmul.f32 v26, v26;
	v30 =	vld.idx.msk [tilespmem:v38+s17+$0x0], $0xffff;
	v35 =	vpop (erf);
	(erf) = vrcp.f32 v25  }
0xe3: {  	v36 =	vmul.f32 v32, v32;
	v16 =	vld.idx.msk [tilespmem:v38+s4+$0x0], $0xffff;
	v38 =	vmul.f32 v15, v4  }
0xe4: {  	v15 =	vmul.f32 v40, v40;
	v42 =	vmul.f32 v23, v4;
	v33 =	vld.idx.msk [tilespmem:v33+s17+$0x0], $0xffff  }
0xe5: {  	v44 =	vadd.f32 v18, v18;
	v23 =	vmul.f32 v36, v36;
	v43 =	vmul.f32 v38, v38  }
0xe6: {  	v32 =	vmul.f32 v35, v32;
	v18 =	vmul.f32 v15, v15;
	v35 =	vpop (erf)  }
0xe7: {  	v13 =	vmul.f32 v28, v13;
	v26 =	vsub.f32 v44, v26;
	v45 =	vmul.f32 $4.000000000e+00, v29;
	v46 =	vpop (erf)  }
0xe8: {  	v21 =	vmul.f32 v21, v10;
	v10 =	vmul.f32 $4.000000000e+00, v30;
	v28 =	vpop (erf)  }
0xe9: {  	v44 =	vmul.f32 v19, v4;
	v23 =	vmul.f32 v23, v36;
	v36 =	vld.idx.msk [tilespmem:v39+s17+$0x0], $0xffff;
	[tilespmem:v6+s29+$0x0 ss:$0x1] =	vst.idx.msk $0xffff, v13  }
0xea: {  	v47 =	vmul.f32 v20, v30;
	v48 =	vmul.f32 $4.000000000e+00, v33;
	[tilespmem:v6+s29+$0x30 ss:$0x1] =	vst.idx.msk $0xffff, v21  }
0xeb: {  	v49 =	vmul.f32 v32, v32;
	v13 =	vmul.f32 v26, v14;
	v19 =	vld.idx.msk [tilespmem:v39+s4+$0x0], $0xffff;
	v30 =	vpop (erf);
	[tilespmem:v6+s28+$0x0 ss:$0x1] =	vst.idx.msk $0xffff, v17  }
0xec: {  	v26 =	vmul.f32 v41, v41;
	v14 =	vmul.f32 v31, v31  }
0xed: {  	v21 =	vmul.f32 v28, v40;
	v20 =	vmul.f32 v13, v5  }
0xee: {  	v28 =	vmul.f32 v34, v29;
	v29 =	vadd.f32 v43, v43;
	v13 =	vmul.f32 v42, v42  }
0xef: {  	v32 =	vmul.f32 v44, v44;
	v39 =	vmul.f32 v46, v16  }
0xf0: {  	v17 =	vmul.f32 v24, v27;
	v21 =	vmul.f32 v21, v21;
	v24 =	vadd.f32 v13, v13  }
0xf1: {  	v13 =	vmul.f32 $4.000000000e+00, v27;
	v27 =	vmul.f32 v30, v19;
	v30 =	vsub.f32 v29, v38  }
0xf2: {  	v32 =	vadd.f32 v32, v32;
	v34 =	vmul.f32 v23, v4;
	v29 =	vmul.f32 v26, v26  }
0xf3: {  	v23 =	vmul.f32 $4.000000000e+00, v36;
	v24 =	vsub.f32 v24, v42;
	v30 =	vmul.f32 v30, v11;
	v11 =	vmovc v28  }
0xf4: {  	v25 =	vmul.f32 v25, v36;
	v36 =	vsub.f32 v14, v31;
	v28 =	vmul.f32 v34, v34  }
0xf5: {  	v40 =	vsub.f32 v32, v44;
	v38 =	vmul.f32 v49, v49;
	v24 =	vmul.f32 v24, v9;
	v9 =	vmovc v47  }
.Ltmp0:
0xf6: {  	v14 =	vmul.f32 v22, v33;
	v31 =	vmul.f32 v37, v7;
	v7 =	vmovc v45;
	v42 =	vadd.f32 v28, v28;
	(pc) =	sbr.rel @p0 .LBB2_3-.Ltmp0, $4  }
0xf7: {  	v32 =	vmul.f32 v27, v27;
	v22 =	vmul.f32 v24, v5  }
0xf8: {  	v24 =	vmul.f32 v36, v8;
	v8 =	vmovc v48;
	v28 =	vmul.f32 v38, v49;
	v27 =	vsub.f32 v42, v34  }
0xf9: {  	v33 =	vmul.f32 v32, v32;
	v34 =	vmul.f32 v40, v12;
	v12 =	vmov v25;
	[tilespmem:v6+s28+$0x30 ss:$0x1] =	vst.idx.msk $0xffff, v22  }
0xfa: {  	s12 =	sadd.s32 $0x50, s12;
	s11 =	sadd.s32 $0x50, s11;
	v35 =	vmul.f32 v35, v41;
	v25 =	vmul.f32 v39, v39;
	[tilespmem:v6+s29+$0x40 ss:$0x1] =	vst.idx.msk $0xffff, v24  }
0xfb: {  	v22 =	vmul.f32 v29, v26  }
0xfc: {  	v24 =	vmul.f32 v30, v5;
	v15 =	vmul.f32 v18, v15  }
0xfd: {  	v16 =	vmul.f32 v16, v16;
	v37 =	vmul.f32 v28, v28  }
0xfe: {  	v38 =	vmul.f32 v33, v32;
	v39 =	vmul.f32 v34, v5  }
0xff: {  	v19 =	vmul.f32 v19, v19;
	v42 =	vmul.f32 v21, v21  }
0x100: {  	v17 =	vmul.f32 v27, v17;
	v36 =	vmul.f32 v25, v25  }
0x101: {  	v41 =	vmul.f32 v35, v35;
	v40 =	vmul.f32 v16, v16  }
0x102: {  	v33 =	vmul.f32 v38, v38;
	v43 =	vmul.f32 v19, v19  }
0x103: {  	v21 =	vmul.f32 v42, v21;
	v22 =	vmul.f32 v22, v4  }
0x104: {  	v15 =	vmul.f32 v15, v4;
	v17 =	vmul.f32 v17, v5  }
0x105: {  	[tilespmem:v6+s29+$0x10 ss:$0x1] =	vst.idx.msk $0xffff, v31;
	v18 =	vmul.f32 v36, v25;
	v44 =	vmul.f32 v41, v41  }
0x106: {  	v46 =	vsub.f32 v37, v28;
	v16 =	vmul.f32 v40, v16;
	v19 =	vmul.f32 v43, v19  }
0x107: {  	[tilespmem:v6+s28+$0x40 ss:$0x1] =	vst.idx.msk $0xffff, v20;
	v45 =	vmul.f32 v21, v21;
	v50 =	vmul.f32 v22, v22  }
0x108: {  	v29 =	vsub.f32 v33, v38;
	v51 =	vmul.f32 v15, v15;
	v13 =	vmul.f32 v46, v13  }
0x109: {  	[tilespmem:v6+s28+$0x10 ss:$0x1] =	vst.idx.msk $0xffff, v24;
	v47 =	vmul.f32 v18, v18;
	v49 =	vmul.f32 v44, v41  }
0x10a: {  	[tilespmem:v6+s28+$0x20 ss:$0x1] =	vst.idx.msk $0xffff, v39;
	v23 =	vmul.f32 v29, v23;
	v16 =	vmul.f32 v16, v4  }
0x10b: {  	v20 =	vsub.f32 v45, v21;
	v19 =	vmul.f32 v19, v4;
	v52 =	vadd.f32 v51, v51  }
0x10c: {  	v53 =	vadd.f32 v50, v50;
	[tilespmem:v6+s9+$0x0 ss:$0x1] =	vst.idx.msk $0xffff, v13;
	v18 =	vsub.f32 v47, v18  }
0x10d: {  	v54 =	vmul.f32 v49, v49;
	[tilespmem:v6+s8+$0x0 ss:$0x1] =	vst.idx.msk $0xffff, v17;
	v48 =	vmul.f32 v16, v16  }
0x10e: {  	[tilespmem:v6+s9+$0x20 ss:$0x1] =	vst.idx.msk $0xffff, v23;
	v55 =	vmul.f32 v19, v19;
	v56 =	vsub.f32 v52, v15  }
0x10f: {  	v59 =	vsub.f32 v53, v22;
	v7 =	vmul.f32 v20, v7;
	v21 =	vadd.f32 v48, v48  }
0x110: {  	v10 =	vmul.f32 v18, v10;
	v58 =	vsub.f32 v54, v49;
	v57 =	vadd.f32 v55, v55  }
0x111: {  	v11 =	vmul.f32 v56, v11;
	v60 =	vmul.f32 v59, v14;
	v16 =	vsub.f32 v21, v16  }
0x112: {  	[tilespmem:v6+s9+$0x30 ss:$0x1] =	vst.idx.msk $0xffff, v10;
	v8 =	vmul.f32 v58, v8;
	v10 =	vsub.f32 v57, v19  }
0x113: {  	[tilespmem:v6+s9+$0x10 ss:$0x1] =	vst.idx.msk $0xffff, v7;
	v62 =	vmul.f32 v11, v5;
	v9 =	vmul.f32 v16, v9  }
0x114: {  	v63 =	vmul.f32 v60, v5;
	[tilespmem:v6+s9+$0x40 ss:$0x1] =	vst.idx.msk $0xffff, v8;
	v61 =	vmul.f32 v10, v12  }
0x115: {  	s30 =	sadd.s32 $0x1, s30;
	[tilespmem:v6+s8+$0x10 ss:$0x1] =	vst.idx.msk $0xffff, v62;
	v9 =	vmul.f32 v9, v5  }
0x116: {  	s2 =	sshrl.u32 s5, $0x3;
	p0 =	sne.s32 s30, $0x19;
	[tilespmem:v6+s8+$0x40 ss:$0x1] =	vst.idx.msk $0xffff, v63;
	v7 =	vmul.f32 v61, v5  }
.Ltmp1:
0x117: {  	s29 =	sadd.s32 $0x10D80, s31;
	s31 =	sadd.s32 $0x16B80, s31;
	[tilespmem:v6+s8+$0x30 ss:$0x1] =	vst.idx.msk $0xffff, v9;
	(pc) =	sbr.rel @p0 .LBB2_2-.Ltmp1, $4  }
0x118: {  	s26 =	sadd.s32 $0x1F40, s26;
	s25 =	sadd.s32 $0x1F40, s25;
	s5 =	sadd.s32 s1, s2;
	[tilespmem:v6+s8+$0x20 ss:$0x1] =	vst.idx.msk $0xffff, v7  }
0x119: {  	[hbm4b:s5+s4] =	stream.linear.scatter [tilespmem:s29], [sflag:$0x2], $0x1F40, $0x38;
	[tilespmem:$0x1C980] =	vst v63  }
0x11a: {  	s20 =	sadd.s32 $0x1F40, s20;
	s21 =	sadd.s32 $0x1F40, s21;
	s2 =	sadd.s32 s3, s2  }
0x11b: {  	[hbm4b:s2+s4] =	stream.linear.scatter [tilespmem:s31], [sflag:$0x2], $0x1F40, $0x38;
	[tilespmem:$0x1C980] =	vst v63  }
0x11c: {  	_ =	swait.ge [sflag:s23], $0x1F40  }
0x11d: {  	[sflag:s23] =	ssyncset.done $0x0  }
0x11e: {  	[sflag:s23] =	ssyncadd.s32 $0xFFFFE0C0  }
0x11f: {  	_ =	swait.ge [sflag:s23], $0x1F40  }
0x120: {  	[sflag:s23] =	ssyncset.done $0x0  }
0x121: {  	[sflag:s23] =	ssyncadd.s32 $0xFFFFE0C0  }
0x122: {  	_ =	swait.ge [sflag:s23], $0x1F40  }
0x123: {  	[sflag:s23] =	ssyncset.done $0x0  }
0x124: {  	[sflag:s23] =	ssyncadd.s32 $0xFFFFE0C0  }
0x125: {  	_ =	swait.ge [sflag:s23], $0x1F40  }
0x126: {  	[sflag:s23] =	ssyncset.done $0x0  }
0x127: {  	s24 =	sadd.s32 $0x1, s24;
	[sflag:s23] =	ssyncadd.s32 $0xFFFFE0C0  }
0x128: {  	p0 =	sne.s32 s24, s15;
	_ =	swait.ge [sflag:s23], $0x1F40  }
.Ltmp2:
0x129: {  	[sflag:s23] =	ssyncset.done $0x0;
	(pc) =	sbr.rel @p0 .LBB2_1-.Ltmp2, $4  }
0x12a: {  	[sflag:s23] =	ssyncadd.s32 $0xFFFFE0C0  }
0x12b: {  	_ =	swait.ge [sflag:s23], $0x1F40  }
0x12c: {  	[sflag:s23] =	ssyncset.done $0x0  }
0x12d: {  	[sflag:s23] =	ssyncadd.s32 $0xFFFFE0C0  }
0x12e: {  	_ =	sfence.sel $0x180000  }
0x12f: {  	[bflag:$0x0] =	sbarrier.arrive $0xFFFF  }
0x130: {  	_ =	strace $0x9000004A  }
0x131: {  	s0 =	stileid.u32;
	[bflag:$0x2] =	sbarrier.arrive $0xFFFF  }
0x132: {  	p0 =	sne.s32 s0, $0x0;
	s0 =	rddreg [dreg:$0x4]  }
0x133: {  	s0 =	sadd.s32 @!p0 $0x100000, s0  }
0x134: {  	[sflag:s0] =	ssyncadd.tile.s32 @!p0 $0x1;
	_ =	shalt  }
.Lfunc_end2:
_tile_overlayer_lowered:
.L_overlay_start_2:
0x135: {  	(tag) =	ssettag $0x2  }
0x136: {  	s0 =	rddreg [dreg:$0x0];
	s2 =	stileid.u32  }
0x137: {  	s1 =	rddreg [dreg:$0x1];
	p0 =	sne.s32 s2, $0x0  }
0x138: {  	s3 =	rddreg [dreg:$0x2];
	[bflag:$0x3] =	sbarrier.arrive $0xFFFF;
	s2 =	simm.s32 @!p0 $0x1C03  }
0x139: {  	[timem:s3], [sflag:s2] =	dma.local @!p0 [hbm:s0], s1  }
0x13a: {  	s0 =	simm.s32 @!p0 $0x3  }
0x13b: {  	_ =	swait.ge @!p0 [sflag:s0], s1  }
0x13c: {  	s1 =	ssub.s32 @!p0 $0x0, s1;
	[sflag:s0] =	ssyncset.done @!p0 $0x0  }
0x13d: {  	[sflag:s0] =	ssyncadd.s32 @!p0 s1  }
0x13e: {  	[bflag:$0x3] =	sbarrier.arrive $0xFFFF  }
0x13f: {  	_ =	shalt  }

</sc_bundles>
